<compile_context>
chip_gen: v7x
topology: tpu7x:2x2x1
jax: 0.10.2.dev20260603
libtpu: 0.0.44.dev20260713+nightly
codegen_flags: <defaults>
</compile_context>

<pallas_src>
import functools

import jax
import jax.numpy as jnp
from jax import lax
from jax.experimental import pallas as pl
from jax.experimental.pallas import tpu as pltpu
from jax.experimental.pallas import tpu_sc as plsc

_B = 256
_L = 1000
_D = 128
_H = 256
_NW = 32
_LPW = 32
_NS = _D // 16

_BSPLIT = 128
_BSC = _B - _BSPLIT
_NB = 8
_TC_STEPS = _BSPLIT // _NB


def _lane_bcast(vec, j):
    idx = jnp.full((16,), j, jnp.int32)
    return lax.gather(
        vec, idx[:, None],
        dimension_numbers=lax.GatherDimensionNumbers(
            offset_dims=(), collapsed_slice_dims=(0,), start_index_map=(0,)),
        slice_sizes=(1,), mode=lax.GatherScatterMode.PROMISE_IN_BOUNDS)


def _sc_reduce_body(x_hbm, maskT_hbm, pos_hbm, tot_hbm,
                    xbuf0, xbuf1, mvmem, pstage, tstage, sem0, sem1):
    cid = lax.axis_index("c")
    sid = lax.axis_index("s")
    wid = sid * 2 + cid
    l0 = jnp.minimum(wid * _LPW, _L - _LPW)

    pltpu.async_copy(x_hbm.at[pl.ds(_BSPLIT, _BSC), l0], xbuf0, sem0)
    pltpu.async_copy(x_hbm.at[pl.ds(_BSPLIT, _BSC), l0 + 1], xbuf1, sem1)

    pltpu.sync_copy(maskT_hbm.at[pl.ds(l0, _LPW)], mvmem)

    zero = jnp.zeros((16,), jnp.float32)

    def compute(l, buf):
        def bbody(b, carry):
            j = lax.rem(b, 16)
            mrow = mvmem[l, pl.ds(b - j, 16)]
            m = _lane_bcast(mrow, j)
            out = list(carry)
            for s in range(_NS):
                xs = buf[b, pl.ds(s * 16, 16)]
                out[s] = out[s] + m * xs
                out[_NS + s] = out[_NS + s] + xs
            return tuple(out)

        acc = lax.fori_loop(0, _BSC, bbody, (zero,) * (2 * _NS),
                            unroll=4)
        for s in range(_NS):
            pstage[l, pl.ds(s * 16, 16)] = acc[s]
            tstage[l, pl.ds(s * 16, 16)] = acc[_NS + s]

    def pair(k, _):
        l = 2 * k
        pltpu.make_async_copy(x_hbm.at[pl.ds(_BSPLIT, _BSC), l0],
                              xbuf0, sem0).wait()
        compute(l, xbuf0)

        @pl.when(l + 2 < _LPW)
        def _pf0():
            pltpu.async_copy(x_hbm.at[pl.ds(_BSPLIT, _BSC), l0 + l + 2],
                             xbuf0, sem0)

        pltpu.make_async_copy(x_hbm.at[pl.ds(_BSPLIT, _BSC), l0],
                              xbuf1, sem1).wait()
        compute(l + 1, xbuf1)

        @pl.when(l + 3 < _LPW)
        def _pf1():
            pltpu.async_copy(x_hbm.at[pl.ds(_BSPLIT, _BSC), l0 + l + 3],
                             xbuf1, sem1)

        return _

    lax.fori_loop(0, _LPW // 2, pair, None)

    pltpu.sync_copy(pstage, pos_hbm.at[pl.ds(l0, _LPW)])
    pltpu.sync_copy(tstage, tot_hbm.at[pl.ds(l0, _LPW)])


_sc_reduce = functools.partial(
    pl.kernel,
    out_type=[
        jax.ShapeDtypeStruct((_L, _D), jnp.float32),
        jax.ShapeDtypeStruct((_L, _D), jnp.float32),
    ],
    mesh=plsc.VectorSubcoreMesh(core_axis_name="c", subcore_axis_name="s"),
    scratch_types=[
        pltpu.VMEM((_BSC, _D), jnp.float32),
        pltpu.VMEM((_BSC, _D), jnp.float32),
        pltpu.VMEM((_LPW, _BSC), jnp.float32),
        pltpu.VMEM((_LPW, _D), jnp.float32),
        pltpu.VMEM((_LPW, _D), jnp.float32),
        pltpu.SemaphoreType.DMA,
        pltpu.SemaphoreType.DMA,
    ],
)(_sc_reduce_body)


def _tc_reduce_body(x_ref, mask_ref, pos_ref, tot_ref, pos_acc, tot_acc):
    i = pl.program_id(0)

    @pl.when(i == 0)
    def _init():
        pos_acc[...] = jnp.zeros_like(pos_acc)
        tot_acc[...] = jnp.zeros_like(tot_acc)

    xb = x_ref[...]
    mb = mask_ref[...].astype(jnp.float32)
    pos_acc[...] += jnp.sum(mb[:, :, None] * xb, axis=0)
    tot_acc[...] += jnp.sum(xb, axis=0)

    @pl.when(i == _TC_STEPS - 1)
    def _finish():
        pos_ref[...] = pos_acc[...]
        tot_ref[...] = tot_acc[...]


def _tc_reduce(x, label_mask):
    return pl.pallas_call(
        _tc_reduce_body,
        grid=(_TC_STEPS,),
        in_specs=[
            pl.BlockSpec((_NB, _L, _D), lambda i: (i, 0, 0)),
            pl.BlockSpec((_NB, _L), lambda i: (i, 0)),
        ],
        out_specs=[
            pl.BlockSpec((_L, _D), lambda i: (0, 0)),
            pl.BlockSpec((_L, _D), lambda i: (0, 0)),
        ],
        out_shape=[
            jax.ShapeDtypeStruct((_L, _D), jnp.float32),
            jax.ShapeDtypeStruct((_L, _D), jnp.float32),
        ],
        scratch_shapes=[
            pltpu.VMEM((_L, _D), jnp.float32),
            pltpu.VMEM((_L, _D), jnp.float32),
        ],
        compiler_params=pltpu.CompilerParams(
            dimension_semantics=("arbitrary",),
        ),
    )(x, label_mask)


def _mlp(v, wh, bh, wp, bp):
    h = jnp.maximum(
        lax.dot_general(v, wh, (((1,), (1,)), ((), ())),
                        preferred_element_type=jnp.float32) + bh,
        0.0)
    return lax.dot_general(h, wp, (((1,), (1,)), ((), ())),
                           preferred_element_type=jnp.float32) + bp


def _tc_finish_body(pos1_ref, tot1_ref, pos2_ref, tot2_ref, maskT_ref,
                    gpt_ref, gpt_last_ref, wh_ref, bh_ref, wp_ref, bp_ref,
                    out_ref):
    cnt = jnp.sum(maskT_ref[...], axis=1, keepdims=True)
    pos = pos1_ref[...] + pos2_ref[...]
    tot = tot1_ref[...] + tot2_ref[...]
    neg_cnt = _B - cnt
    pos_mean = pos / jnp.maximum(cnt, 1.0)
    neg_mean = (tot - pos) / jnp.maximum(neg_cnt, 1.0)
    avg = 0.5 * pos_mean + 0.5 * gpt_ref[...]
    avg_anti = 0.5 * neg_mean + 0.5 * gpt_last_ref[...]
    wh = wh_ref[...]
    bh = bh_ref[...]
    wp = wp_ref[...]
    bp = bp_ref[...]
    proto = _mlp(avg, wh, bh, wp, bp)
    proto = jnp.where(cnt > 0.0, proto, 0.0)
    anti = _mlp(avg_anti, wh, bh, wp, bp)
    valid = (neg_cnt > 0.0).astype(jnp.float32)
    anti_sum = jnp.sum(anti * valid, axis=0, keepdims=True)
    anti_row = anti_sum / jnp.maximum(jnp.sum(valid), 1.0)
    out_ref[0:_L, :] = proto
    out_ref[_L:_L + 1, :] = anti_row


def _tc_finish(pos1, tot1, pos2, tot2, maskT, gpt_main, gpt_last,
               wh, bh, wp, bp):
    return pl.pallas_call(
        _tc_finish_body,
        out_shape=jax.ShapeDtypeStruct((_L + 1, _D), jnp.float32),
    )(pos1, tot1, pos2, tot2, maskT, gpt_main, gpt_last, wh, bh, wp, bp)


@jax.jit
def _run(x, label_mask, gpt_main, gpt_last, wh, bh, wp, bp):
    maskT = jnp.transpose(label_mask, (1, 0)).astype(jnp.float32)
    pos_sc, tot_sc = _sc_reduce(x, maskT[:, _BSPLIT:])
    pos_tc, tot_tc = _tc_reduce(x, label_mask)
    return _tc_finish(pos_tc, tot_tc, pos_sc, tot_sc, maskT,
                      gpt_main, gpt_last, wh, bh, wp, bp)


def kernel(x, label_mask, global_prototype_tensor, W_hidden, b_hidden,
           W_proto, b_proto):
    gpt_main = global_prototype_tensor[:_L]
    gpt_last = global_prototype_tensor[_L:]
    return _run(x, label_mask, gpt_main, gpt_last, W_hidden,
                b_hidden.reshape(1, _H), W_proto, b_proto.reshape(1, _D))

# --- scband reference (transcript-rebuilt; emitter-appended) ---
"""Pipeline reference for scband-prototype-46445776339034 (READ-ONLY COPY).

The authoritative reference and input builder live on the scoring server;
editing this copy changes nothing except your own understanding.
"""

import jax, jax.numpy as jnp
import numpy as np

B = 256
L = 1000
D = 128
H = 256

def setup_inputs(seed: int = 0) -> dict:
    key = jax.random.key(seed)
    k1, k2, k3, k4, k5, k6, k7 = jax.random.split(key, 7)
    x = jax.random.normal(k1, (B, L, D), dtype=jnp.float32)
    label_mask = jax.random.randint(k2, (B, L), 0, 2, dtype=jnp.int32)
    global_prototype_tensor = jax.random.normal(k3, (L + 1, D), dtype=jnp.float32)
    # nn.Linear(embedding_size, hidden_size): W [H, D], b [H]
    W_hidden = jax.random.normal(k4, (H, D), dtype=jnp.float32) * (1.0 / np.sqrt(D))
    b_hidden = jax.random.normal(k5, (H,), dtype=jnp.float32) * 0.01
    # nn.Linear(hidden_size, embedding_size): W [D, H], b [D]
    W_proto = jax.random.normal(k6, (D, H), dtype=jnp.float32) * (1.0 / np.sqrt(H))
    b_proto = jax.random.normal(k7, (D,), dtype=jnp.float32) * 0.01
    return {
        "x": x,
        "label_mask": label_mask,
        "global_prototype_tensor": global_prototype_tensor,
        "W_hidden": W_hidden,
        "b_hidden": b_hidden,
        "W_proto": W_proto,
        "b_proto": b_proto,
    }

def _mlp(v, W_hidden, b_hidden, W_proto, b_proto):
    h = jax.nn.relu(v @ W_hidden.T + b_hidden)
    return h @ W_proto.T + b_proto

def reference(x, label_mask, global_prototype_tensor, W_hidden, b_hidden, W_proto, b_proto):
    mask = label_mask.astype(jnp.float32)  # [B, L], 1 iff label i in sample b's labels
    # positive prototypes: mean over samples that contain label i (scatter-add style masked sum)
    pos_count = mask.sum(axis=0)  # [L]
    pos_sum = jnp.einsum('bl,bld->ld', mask, x)  # [L, D]
    pos_mean = pos_sum / jnp.maximum(pos_count, 1.0)[:, None]
    avg = 0.5 * pos_mean + 0.5 * global_prototype_tensor[:-1]  # [L, D]
    proto = _mlp(avg, W_hidden, b_hidden, W_proto, b_proto)  # [L, D]
    # labels with zero positive samples stay at their zero-initialized value
    proto = jnp.where(pos_count[:, None] > 0, proto, jnp.zeros_like(proto))
    # anti-prototypes: mean over samples NOT containing label i
    neg_mask = 1.0 - mask
    neg_count = neg_mask.sum(axis=0)  # [L]
    neg_sum = jnp.einsum('bl,bld->ld', neg_mask, x)
    neg_mean = neg_sum / jnp.maximum(neg_count, 1.0)[:, None]
    avg_anti = 0.5 * neg_mean + 0.5 * global_prototype_tensor[-1][None, :]
    anti = _mlp(avg_anti, W_hidden, b_hidden, W_proto, b_proto)  # [L, D]
    valid = (neg_count > 0).astype(jnp.float32)  # [L]
    anti_prototype = (anti * valid[:, None]).sum(axis=0) / jnp.maximum(valid.sum(), 1.0)  # [D]
    return jnp.concatenate([proto, anti_prototype[None, :]], axis=0)  # [L+1, D]

if __name__ == "__main__":
    import jax
    _d = setup_inputs()
    print(jax.jit(kernel)(*tuple(_d.values())))

</pallas_src>

<mosaic_0001>
#map = affine_map<(d0, d1) -> (0, 0, 0)>
#map1 = affine_map<(d0, d1) -> (0, 0)>
module attributes {stable_mosaic.version = 14 : i64} {
  func.func @_sc_reduce_body(%arg0: i32, %arg1: i32, %arg2: memref<256x1000x128xf32, #tpu.memory_space<hbm>>, %arg3: memref<1000x128xf32, #tpu.memory_space<hbm>>, %arg4: memref<1000x128xf32, #tpu.memory_space<hbm>>, %arg5: memref<1000x128xf32, #tpu.memory_space<hbm>>, %arg6: memref<128x128xf32, #tpu.memory_space<vmem>>, %arg7: memref<128x128xf32, #tpu.memory_space<vmem>>, %arg8: memref<32x128xf32, #tpu.memory_space<vmem>>, %arg9: memref<32x128xf32, #tpu.memory_space<vmem>>, %arg10: memref<32x128xf32, #tpu.memory_space<vmem>>, %arg11: memref<!tpu.dma_semaphore, #tpu.memory_space<semaphore_mem>>, %arg12: memref<!tpu.dma_semaphore, #tpu.memory_space<semaphore_mem>>) attributes {dimension_semantics = [#tpu.dimension_semantics<core_parallel>, #tpu.dimension_semantics<subcore_parallel>], iteration_bounds = array<i64: 2, 16>, scalar_prefetch = 0 : i64, scratch_operands = 7 : i64, tpu.core_type = #tpu.core_type<sc_vector_subcore>, window_params = [{transform_indices = #map}, {transform_indices = #map1}, {transform_indices = #map1}, {transform_indices = #map1}]} {
    %mul3A = arith.constant 2 : i32
    %mul3A_0 = arith.muli %arg1, %mul3A : i32
    %add3A = arith.addi %mul3A_0, %arg0 : i32
    %mul3A_1 = arith.constant 32 : i32
    %mul3A_2 = arith.muli %add3A, %mul3A_1 : i32
    %min3A = arith.constant 968 : i32
    %min3A_3 = arith.minsi %mul3A_2, %min3A : i32
    %dma_start3A = arith.constant 128 : i32
    %dma_start3A_4 = arith.constant 0 : i32
    %dma_start3A_5 = tpu.memref_slice %arg2[%dma_start3A, %min3A_3, %dma_start3A_4] : memref<256x1000x128xf32, #tpu.memory_space<hbm>> -> memref<128x1x128xf32, #tpu.memory_space<hbm>>
    %dma_start3A_6 = tpu.memref_squeeze %dma_start3A_5 : memref<128x1x128xf32, #tpu.memory_space<hbm>> -> memref<128x128xf32, #tpu.memory_space<hbm>>
    %dma_start3A_7 = arith.constant 128 : i32
    %dma_start3A_8 = arith.constant 0 : i32
    %dma_start3A_9 = tpu.memref_slice %arg2[%dma_start3A_7, %min3A_3, %dma_start3A_8] : memref<256x1000x128xf32, #tpu.memory_space<hbm>> -> memref<128x1x128xf32, #tpu.memory_space<hbm>>
    %dma_start3A_10 = tpu.memref_squeeze %dma_start3A_9 : memref<128x1x128xf32, #tpu.memory_space<hbm>> -> memref<128x128xf32, #tpu.memory_space<hbm>>
    tpu.enqueue_dma source(%dma_start3A_10 : memref<128x128xf32, #tpu.memory_space<hbm>>) target(%arg6 : memref<128x128xf32, #tpu.memory_space<vmem>>) target_semaphore(%arg11 : memref<!tpu.dma_semaphore, #tpu.memory_space<semaphore_mem>>)
    %add3A_11 = arith.constant 1 : i32
    %add3A_12 = arith.addi %min3A_3, %add3A_11 : i32
    %dma_start3A_13 = arith.constant 128 : i32
    %dma_start3A_14 = arith.constant 0 : i32
    %dma_start3A_15 = tpu.memref_slice %arg2[%dma_start3A_13, %add3A_12, %dma_start3A_14] : memref<256x1000x128xf32, #tpu.memory_space<hbm>> -> memref<128x1x128xf32, #tpu.memory_space<hbm>>
    %dma_start3A_16 = tpu.memref_squeeze %dma_start3A_15 : memref<128x1x128xf32, #tpu.memory_space<hbm>> -> memref<128x128xf32, #tpu.memory_space<hbm>>
    %dma_start3A_17 = arith.constant 128 : i32
    %dma_start3A_18 = arith.constant 0 : i32
    %dma_start3A_19 = tpu.memref_slice %arg2[%dma_start3A_17, %add3A_12, %dma_start3A_18] : memref<256x1000x128xf32, #tpu.memory_space<hbm>> -> memref<128x1x128xf32, #tpu.memory_space<hbm>>
    %dma_start3A_20 = tpu.memref_squeeze %dma_start3A_19 : memref<128x1x128xf32, #tpu.memory_space<hbm>> -> memref<128x128xf32, #tpu.memory_space<hbm>>
    tpu.enqueue_dma source(%dma_start3A_20 : memref<128x128xf32, #tpu.memory_space<hbm>>) target(%arg7 : memref<128x128xf32, #tpu.memory_space<vmem>>) target_semaphore(%arg12 : memref<!tpu.dma_semaphore, #tpu.memory_space<semaphore_mem>>)
    "tpu.region"() ({
      %run_scoped3A = tpu.sem_alloc : memref<!tpu.dma_semaphore, #tpu.memory_space<semaphore_mem>>
      %dma_start3A_26 = arith.constant 0 : i32
      %dma_start3A_27 = tpu.memref_slice %arg3[%min3A_3, %dma_start3A_26] : memref<1000x128xf32, #tpu.memory_space<hbm>> -> memref<32x128xf32, #tpu.memory_space<hbm>>
      %dma_start3A_28 = arith.constant 0 : i32
      %dma_start3A_29 = tpu.memref_slice %arg3[%min3A_3, %dma_start3A_28] : memref<1000x128xf32, #tpu.memory_space<hbm>> -> memref<32x128xf32, #tpu.memory_space<hbm>>
      tpu.enqueue_dma source(%dma_start3A_29 : memref<32x128xf32, #tpu.memory_space<hbm>>) target(%arg8 : memref<32x128xf32, #tpu.memory_space<vmem>>) target_semaphore(%run_scoped3A : memref<!tpu.dma_semaphore, #tpu.memory_space<semaphore_mem>>)
      %dma_wait3A = arith.constant 0 : i32
      %dma_wait3A_30 = tpu.memref_slice %arg3[%min3A_3, %dma_wait3A] : memref<1000x128xf32, #tpu.memory_space<hbm>> -> memref<32x128xf32, #tpu.memory_space<hbm>>
      %dma_wait3A_31 = arith.constant 0 : i32
      %dma_wait3A_32 = tpu.memref_slice %arg3[%min3A_3, %dma_wait3A_31] : memref<1000x128xf32, #tpu.memory_space<hbm>> -> memref<32x128xf32, #tpu.memory_space<hbm>>
      tpu.wait_dma2 semaphore(%run_scoped3A : memref<!tpu.dma_semaphore, #tpu.memory_space<semaphore_mem>>) src(%dma_wait3A_32 : memref<32x128xf32, #tpu.memory_space<hbm>>) dst(%arg8 : memref<32x128xf32, #tpu.memory_space<vmem>>)
      tpu.yield
    }) : () -> ()
    %broadcast_in_dim3A = arith.constant 0.000000e+00 : f32
    %broadcast_in_dim3A_21 = vector.broadcast %broadcast_in_dim3A : f32 to vector<16xf32>
    %scan3A = arith.constant 0 : i32
    %scan3A_22 = arith.constant 16 : i32
    %scan3A_23 = arith.addi %scan3A, %scan3A_22 : i32
    %scan3A_24 = arith.constant 1 : i32
    scf.for %scan3A_26 = %scan3A to %scan3A_23 step %scan3A_24  : i32 {
      %mul3A_27 = arith.constant 2 : i32
      %mul3A_28 = arith.muli %mul3A_27, %scan3A_26 : i32
      %dma_wait3A = arith.constant 128 : i32
      %dma_wait3A_29 = arith.constant 0 : i32
      %dma_wait3A_30 = tpu.memref_slice %arg2[%dma_wait3A, %min3A_3, %dma_wait3A_29] : memref<256x1000x128xf32, #tpu.memory_space<hbm>> -> memref<128x1x128xf32, #tpu.memory_space<hbm>>
      %dma_wait3A_31 = tpu.memref_squeeze %dma_wait3A_30 : memref<128x1x128xf32, #tpu.memory_space<hbm>> -> memref<128x128xf32, #tpu.memory_space<hbm>>
      %dma_wait3A_32 = arith.constant 128 : i32
      %dma_wait3A_33 = arith.constant 0 : i32
      %dma_wait3A_34 = tpu.memref_slice %arg2[%dma_wait3A_32, %min3A_3, %dma_wait3A_33] : memref<256x1000x128xf32, #tpu.memory_space<hbm>> -> memref<128x1x128xf32, #tpu.memory_space<hbm>>
      %dma_wait3A_35 = tpu.memref_squeeze %dma_wait3A_34 : memref<128x1x128xf32, #tpu.memory_space<hbm>> -> memref<128x128xf32, #tpu.memory_space<hbm>>
      tpu.wait_dma2 semaphore(%arg11 : memref<!tpu.dma_semaphore, #tpu.memory_space<semaphore_mem>>) src(%dma_wait3A_35 : memref<128x128xf32, #tpu.memory_space<hbm>>) dst(%arg6 : memref<128x128xf32, #tpu.memory_space<vmem>>)
      %scan3A_36 = arith.constant 0 : i32
      %scan3A_37 = arith.constant 128 : i32
      %scan3A_38 = arith.addi %scan3A_36, %scan3A_37 : i32
      %scan3A_39 = arith.constant 4 : i32
      %scan3A_40:16 = scf.for %scan3A_228 = %scan3A_36 to %scan3A_38 step %scan3A_39 iter_args(%scan3A_229 = %broadcast_in_dim3A_21, %scan3A_230 = %broadcast_in_dim3A_21, %scan3A_231 = %broadcast_in_dim3A_21, %scan3A_232 = %broadcast_in_dim3A_21, %scan3A_233 = %broadcast_in_dim3A_21, %scan3A_234 = %broadcast_in_dim3A_21, %scan3A_235 = %broadcast_in_dim3A_21, %scan3A_236 = %broadcast_in_dim3A_21, %scan3A_237 = %broadcast_in_dim3A_21, %scan3A_238 = %broadcast_in_dim3A_21, %scan3A_239 = %broadcast_in_dim3A_21, %scan3A_240 = %broadcast_in_dim3A_21, %scan3A_241 = %broadcast_in_dim3A_21, %scan3A_242 = %broadcast_in_dim3A_21, %scan3A_243 = %broadcast_in_dim3A_21, %scan3A_244 = %broadcast_in_dim3A_21) -> (vector<16xf32>, vector<16xf32>, vector<16xf32>, vector<16xf32>, vector<16xf32>, vector<16xf32>, vector<16xf32>, vector<16xf32>, vector<16xf32>, vector<16xf32>, vector<16xf32>, vector<16xf32>, vector<16xf32>, vector<16xf32>, vector<16xf32>, vector<16xf32>)  : i32 {
        %rem3A = arith.constant 16 : i32
        %rem3A_245 = arith.remsi %scan3A_228, %rem3A : i32
        %sub3A = arith.subi %scan3A_228, %rem3A_245 : i32
        %get3A = arith.index_cast %mul3A_28 : i32 to index
        %get3A_246 = arith.index_cast %sub3A : i32 to index
        %get3A_247 = tpu.vector_load %arg8[%get3A, %get3A_246] {strides = array<i32>} : memref<32x128xf32, #tpu.memory_space<vmem>>, vector<1x16xf32>,
        %get3A_248 = vector.shape_cast %get3A_247 : vector<1x16xf32> to vector<16xf32>
        %broadcast_in_dim3A_249 = vector.broadcast %rem3A_245 : i32 to vector<16xi32>
        %broadcast_in_dim3A_250 = vector.shape_cast %broadcast_in_dim3A_249 : vector<16xi32> to vector<16x1xi32>
        %gather3A = vector.shape_cast %broadcast_in_dim3A_250 : vector<16x1xi32> to vector<16xi32>
        %gather3A_251 = tpu.dynamic_gather %get3A_248[%gather3A] in [0] : vector<16xf32>, vector<16xi32> -> vector<16xf32>
        %get3A_252 = arith.index_cast %scan3A_228 : i32 to index
        %get3A_253 = arith.constant 0 : index
        %get3A_254 = tpu.vector_load %arg6[%get3A_252, %get3A_253] {strides = array<i32>} : memref<128x128xf32, #tpu.memory_space<vmem>>, vector<1x16xf32>,
        %get3A_255 = vector.shape_cast %get3A_254 : vector<1x16xf32> to vector<16xf32>
        %mul3A_256 = arith.mulf %gather3A_251, %get3A_255 : vector<16xf32>
        %add3A_257 = arith.addf %scan3A_229, %mul3A_256 : vector<16xf32>
        %add3A_258 = arith.addf %scan3A_237, %get3A_255 : vector<16xf32>
        %get3A_259 = arith.index_cast %scan3A_228 : i32 to index
        %get3A_260 = arith.constant 16 : index
        %get3A_261 = tpu.vector_load %arg6[%get3A_259, %get3A_260] {strides = array<i32>} : memref<128x128xf32, #tpu.memory_space<vmem>>, vector<1x16xf32>,
        %get3A_262 = vector.shape_cast %get3A_261 : vector<1x16xf32> to vector<16xf32>
        %mul3A_263 = arith.mulf %gather3A_251, %get3A_262 : vector<16xf32>
        %add3A_264 = arith.addf %scan3A_230, %mul3A_263 : vector<16xf32>
        %add3A_265 = arith.addf %scan3A_238, %get3A_262 : vector<16xf32>
        %get3A_266 = arith.index_cast %scan3A_228 : i32 to index
        %get3A_267 = arith.constant 32 : index
        %get3A_268 = tpu.vector_load %arg6[%get3A_266, %get3A_267] {strides = array<i32>} : memref<128x128xf32, #tpu.memory_space<vmem>>, vector<1x16xf32>,
        %get3A_269 = vector.shape_cast %get3A_268 : vector<1x16xf32> to vector<16xf32>
        %mul3A_270 = arith.mulf %gather3A_251, %get3A_269 : vector<16xf32>
        %add3A_271 = arith.addf %scan3A_231, %mul3A_270 : vector<16xf32>
        %add3A_272 = arith.addf %scan3A_239, %get3A_269 : vector<16xf32>
        %get3A_273 = arith.index_cast %scan3A_228 : i32 to index
        %get3A_274 = arith.constant 48 : index
        %get3A_275 = tpu.vector_load %arg6[%get3A_273, %get3A_274] {strides = array<i32>} : memref<128x128xf32, #tpu.memory_space<vmem>>, vector<1x16xf32>,
        %get3A_276 = vector.shape_cast %get3A_275 : vector<1x16xf32> to vector<16xf32>
        %mul3A_277 = arith.mulf %gather3A_251, %get3A_276 : vector<16xf32>
        %add3A_278 = arith.addf %scan3A_232, %mul3A_277 : vector<16xf32>
        %add3A_279 = arith.addf %scan3A_240, %get3A_276 : vector<16xf32>
        %get3A_280 = arith.index_cast %scan3A_228 : i32 to index
        %get3A_281 = arith.constant 64 : index
        %get3A_282 = tpu.vector_load %arg6[%get3A_280, %get3A_281] {strides = array<i32>} : memref<128x128xf32, #tpu.memory_space<vmem>>, vector<1x16xf32>,
        %get3A_283 = vector.shape_cast %get3A_282 : vector<1x16xf32> to vector<16xf32>
        %mul3A_284 = arith.mulf %gather3A_251, %get3A_283 : vector<16xf32>
        %add3A_285 = arith.addf %scan3A_233, %mul3A_284 : vector<16xf32>
        %add3A_286 = arith.addf %scan3A_241, %get3A_283 : vector<16xf32>
        %get3A_287 = arith.index_cast %scan3A_228 : i32 to index
        %get3A_288 = arith.constant 80 : index
        %get3A_289 = tpu.vector_load %arg6[%get3A_287, %get3A_288] {strides = array<i32>} : memref<128x128xf32, #tpu.memory_space<vmem>>, vector<1x16xf32>,
        %get3A_290 = vector.shape_cast %get3A_289 : vector<1x16xf32> to vector<16xf32>
        %mul3A_291 = arith.mulf %gather3A_251, %get3A_290 : vector<16xf32>
        %add3A_292 = arith.addf %scan3A_234, %mul3A_291 : vector<16xf32>
        %add3A_293 = arith.addf %scan3A_242, %get3A_290 : vector<16xf32>
        %get3A_294 = arith.index_cast %scan3A_228 : i32 to index
        %get3A_295 = arith.constant 96 : index
        %get3A_296 = tpu.vector_load %arg6[%get3A_294, %get3A_295] {strides = array<i32>} : memref<128x128xf32, #tpu.memory_space<vmem>>, vector<1x16xf32>,
        %get3A_297 = vector.shape_cast %get3A_296 : vector<1x16xf32> to vector<16xf32>
        %mul3A_298 = arith.mulf %gather3A_251, %get3A_297 : vector<16xf32>
        %add3A_299 = arith.addf %scan3A_235, %mul3A_298 : vector<16xf32>
        %add3A_300 = arith.addf %scan3A_243, %get3A_297 : vector<16xf32>
        %get3A_301 = arith.index_cast %scan3A_228 : i32 to index
        %get3A_302 = arith.constant 112 : index
        %get3A_303 = tpu.vector_load %arg6[%get3A_301, %get3A_302] {strides = array<i32>} : memref<128x128xf32, #tpu.memory_space<vmem>>, vector<1x16xf32>,
        %get3A_304 = vector.shape_cast %get3A_303 : vector<1x16xf32> to vector<16xf32>
        %mul3A_305 = arith.mulf %gather3A_251, %get3A_304 : vector<16xf32>
        %add3A_306 = arith.addf %scan3A_236, %mul3A_305 : vector<16xf32>
        %add3A_307 = arith.addf %scan3A_244, %get3A_304 : vector<16xf32>
        %scan3A_308 = arith.constant 1 : i32
        %scan3A_309 = arith.addi %scan3A_228, %scan3A_308 : i32
        %rem3A_310 = arith.constant 16 : i32
        %rem3A_311 = arith.remsi %scan3A_309, %rem3A_310 : i32
        %sub3A_312 = arith.subi %scan3A_309, %rem3A_311 : i32
        %get3A_313 = arith.index_cast %mul3A_28 : i32 to index
        %get3A_314 = arith.index_cast %sub3A_312 : i32 to index
        %get3A_315 = tpu.vector_load %arg8[%get3A_313, %get3A_314] {strides = array<i32>} : memref<32x128xf32, #tpu.memory_space<vmem>>, vector<1x16xf32>,
        %get3A_316 = vector.shape_cast %get3A_315 : vector<1x16xf32> to vector<16xf32>
        %broadcast_in_dim3A_317 = vector.broadcast %rem3A_311 : i32 to vector<16xi32>
        %broadcast_in_dim3A_318 = vector.shape_cast %broadcast_in_dim3A_317 : vector<16xi32> to vector<16x1xi32>
        %gather3A_319 = vector.shape_cast %broadcast_in_dim3A_318 : vector<16x1xi32> to vector<16xi32>
        %gather3A_320 = tpu.dynamic_gather %get3A_316[%gather3A_319] in [0] : vector<16xf32>, vector<16xi32> -> vector<16xf32>
        %get3A_321 = arith.index_cast %scan3A_309 : i32 to index
        %get3A_322 = arith.constant 0 : index
        %get3A_323 = tpu.vector_load %arg6[%get3A_321, %get3A_322] {strides = array<i32>} : memref<128x128xf32, #tpu.memory_space<vmem>>, vector<1x16xf32>,
        %get3A_324 = vector.shape_cast %get3A_323 : vector<1x16xf32> to vector<16xf32>
        %mul3A_325 = arith.mulf %gather3A_320, %get3A_324 : vector<16xf32>
        %add3A_326 = arith.addf %add3A_257, %mul3A_325 : vector<16xf32>
        %add3A_327 = arith.addf %add3A_258, %get3A_324 : vector<16xf32>
        %get3A_328 = arith.index_cast %scan3A_309 : i32 to index
        %get3A_329 = arith.constant 16 : index
        %get3A_330 = tpu.vector_load %arg6[%get3A_328, %get3A_329] {strides = array<i32>} : memref<128x128xf32, #tpu.memory_space<vmem>>, vector<1x16xf32>,
        %get3A_331 = vector.shape_cast %get3A_330 : vector<1x16xf32> to vector<16xf32>
        %mul3A_332 = arith.mulf %gather3A_320, %get3A_331 : vector<16xf32>
        %add3A_333 = arith.addf %add3A_264, %mul3A_332 : vector<16xf32>
        %add3A_334 = arith.addf %add3A_265, %get3A_331 : vector<16xf32>
        %get3A_335 = arith.index_cast %scan3A_309 : i32 to index
        %get3A_336 = arith.constant 32 : index
        %get3A_337 = tpu.vector_load %arg6[%get3A_335, %get3A_336] {strides = array<i32>} : memref<128x128xf32, #tpu.memory_space<vmem>>, vector<1x16xf32>,
        %get3A_338 = vector.shape_cast %get3A_337 : vector<1x16xf32> to vector<16xf32>
        %mul3A_339 = arith.mulf %gather3A_320, %get3A_338 : vector<16xf32>
        %add3A_340 = arith.addf %add3A_271, %mul3A_339 : vector<16xf32>
        %add3A_341 = arith.addf %add3A_272, %get3A_338 : vector<16xf32>
        %get3A_342 = arith.index_cast %scan3A_309 : i32 to index
        %get3A_343 = arith.constant 48 : index
        %get3A_344 = tpu.vector_load %arg6[%get3A_342, %get3A_343] {strides = array<i32>} : memref<128x128xf32, #tpu.memory_space<vmem>>, vector<1x16xf32>,
        %get3A_345 = vector.shape_cast %get3A_344 : vector<1x16xf32> to vector<16xf32>
        %mul3A_346 = arith.mulf %gather3A_320, %get3A_345 : vector<16xf32>
        %add3A_347 = arith.addf %add3A_278, %mul3A_346 : vector<16xf32>
        %add3A_348 = arith.addf %add3A_279, %get3A_345 : vector<16xf32>
        %get3A_349 = arith.index_cast %scan3A_309 : i32 to index
        %get3A_350 = arith.constant 64 : index
        %get3A_351 = tpu.vector_load %arg6[%get3A_349, %get3A_350] {strides = array<i32>} : memref<128x128xf32, #tpu.memory_space<vmem>>, vector<1x16xf32>,
        %get3A_352 = vector.shape_cast %get3A_351 : vector<1x16xf32> to vector<16xf32>
        %mul3A_353 = arith.mulf %gather3A_320, %get3A_352 : vector<16xf32>
        %add3A_354 = arith.addf %add3A_285, %mul3A_353 : vector<16xf32>
        %add3A_355 = arith.addf %add3A_286, %get3A_352 : vector<16xf32>
        %get3A_356 = arith.index_cast %scan3A_309 : i32 to index
        %get3A_357 = arith.constant 80 : index
        %get3A_358 = tpu.vector_load %arg6[%get3A_356, %get3A_357] {strides = array<i32>} : memref<128x128xf32, #tpu.memory_space<vmem>>, vector<1x16xf32>,
        %get3A_359 = vector.shape_cast %get3A_358 : vector<1x16xf32> to vector<16xf32>
        %mul3A_360 = arith.mulf %gather3A_320, %get3A_359 : vector<16xf32>
        %add3A_361 = arith.addf %add3A_292, %mul3A_360 : vector<16xf32>
        %add3A_362 = arith.addf %add3A_293, %get3A_359 : vector<16xf32>
        %get3A_363 = arith.index_cast %scan3A_309 : i32 to index
        %get3A_364 = arith.constant 96 : index
        %get3A_365 = tpu.vector_load %arg6[%get3A_363, %get3A_364] {strides = array<i32>} : memref<128x128xf32, #tpu.memory_space<vmem>>, vector<1x16xf32>,
        %get3A_366 = vector.shape_cast %get3A_365 : vector<1x16xf32> to vector<16xf32>
        %mul3A_367 = arith.mulf %gather3A_320, %get3A_366 : vector<16xf32>
        %add3A_368 = arith.addf %add3A_299, %mul3A_367 : vector<16xf32>
        %add3A_369 = arith.addf %add3A_300, %get3A_366 : vector<16xf32>
        %get3A_370 = arith.index_cast %scan3A_309 : i32 to index
        %get3A_371 = arith.constant 112 : index
        %get3A_372 = tpu.vector_load %arg6[%get3A_370, %get3A_371] {strides = array<i32>} : memref<128x128xf32, #tpu.memory_space<vmem>>, vector<1x16xf32>,
        %get3A_373 = vector.shape_cast %get3A_372 : vector<1x16xf32> to vector<16xf32>
        %mul3A_374 = arith.mulf %gather3A_320, %get3A_373 : vector<16xf32>
        %add3A_375 = arith.addf %add3A_306, %mul3A_374 : vector<16xf32>
        %add3A_376 = arith.addf %add3A_307, %get3A_373 : vector<16xf32>
        %scan3A_377 = arith.constant 2 : i32
        %scan3A_378 = arith.addi %scan3A_228, %scan3A_377 : i32
        %rem3A_379 = arith.constant 16 : i32
        %rem3A_380 = arith.remsi %scan3A_378, %rem3A_379 : i32
        %sub3A_381 = arith.subi %scan3A_378, %rem3A_380 : i32
        %get3A_382 = arith.index_cast %mul3A_28 : i32 to index
        %get3A_383 = arith.index_cast %sub3A_381 : i32 to index
        %get3A_384 = tpu.vector_load %arg8[%get3A_382, %get3A_383] {strides = array<i32>} : memref<32x128xf32, #tpu.memory_space<vmem>>, vector<1x16xf32>,
        %get3A_385 = vector.shape_cast %get3A_384 : vector<1x16xf32> to vector<16xf32>
        %broadcast_in_dim3A_386 = vector.broadcast %rem3A_380 : i32 to vector<16xi32>
        %broadcast_in_dim3A_387 = vector.shape_cast %broadcast_in_dim3A_386 : vector<16xi32> to vector<16x1xi32>
        %gather3A_388 = vector.shape_cast %broadcast_in_dim3A_387 : vector<16x1xi32> to vector<16xi32>
        %gather3A_389 = tpu.dynamic_gather %get3A_385[%gather3A_388] in [0] : vector<16xf32>, vector<16xi32> -> vector<16xf32>
        %get3A_390 = arith.index_cast %scan3A_378 : i32 to index
        %get3A_391 = arith.constant 0 : index
        %get3A_392 = tpu.vector_load %arg6[%get3A_390, %get3A_391] {strides = array<i32>} : memref<128x128xf32, #tpu.memory_space<vmem>>, vector<1x16xf32>,
        %get3A_393 = vector.shape_cast %get3A_392 : vector<1x16xf32> to vector<16xf32>
        %mul3A_394 = arith.mulf %gather3A_389, %get3A_393 : vector<16xf32>
        %add3A_395 = arith.addf %add3A_326, %mul3A_394 : vector<16xf32>
        %add3A_396 = arith.addf %add3A_327, %get3A_393 : vector<16xf32>
        %get3A_397 = arith.index_cast %scan3A_378 : i32 to index
        %get3A_398 = arith.constant 16 : index
        %get3A_399 = tpu.vector_load %arg6[%get3A_397, %get3A_398] {strides = array<i32>} : memref<128x128xf32, #tpu.memory_space<vmem>>, vector<1x16xf32>,
        %get3A_400 = vector.shape_cast %get3A_399 : vector<1x16xf32> to vector<16xf32>
        %mul3A_401 = arith.mulf %gather3A_389, %get3A_400 : vector<16xf32>
        %add3A_402 = arith.addf %add3A_333, %mul3A_401 : vector<16xf32>
        %add3A_403 = arith.addf %add3A_334, %get3A_400 : vector<16xf32>
        %get3A_404 = arith.index_cast %scan3A_378 : i32 to index
        %get3A_405 = arith.constant 32 : index
        %get3A_406 = tpu.vector_load %arg6[%get3A_404, %get3A_405] {strides = array<i32>} : memref<128x128xf32, #tpu.memory_space<vmem>>, vector<1x16xf32>,
        %get3A_407 = vector.shape_cast %get3A_406 : vector<1x16xf32> to vector<16xf32>
        %mul3A_408 = arith.mulf %gather3A_389, %get3A_407 : vector<16xf32>
        %add3A_409 = arith.addf %add3A_340, %mul3A_408 : vector<16xf32>
        %add3A_410 = arith.addf %add3A_341, %get3A_407 : vector<16xf32>
        %get3A_411 = arith.index_cast %scan3A_378 : i32 to index
        %get3A_412 = arith.constant 48 : index
        %get3A_413 = tpu.vector_load %arg6[%get3A_411, %get3A_412] {strides = array<i32>} : memref<128x128xf32, #tpu.memory_space<vmem>>, vector<1x16xf32>,
        %get3A_414 = vector.shape_cast %get3A_413 : vector<1x16xf32> to vector<16xf32>
        %mul3A_415 = arith.mulf %gather3A_389, %get3A_414 : vector<16xf32>
        %add3A_416 = arith.addf %add3A_347, %mul3A_415 : vector<16xf32>
        %add3A_417 = arith.addf %add3A_348, %get3A_414 : vector<16xf32>
        %get3A_418 = arith.index_cast %scan3A_378 : i32 to index
        %get3A_419 = arith.constant 64 : index
        %get3A_420 = tpu.vector_load %arg6[%get3A_418, %get3A_419] {strides = array<i32>} : memref<128x128xf32, #tpu.memory_space<vmem>>, vector<1x16xf32>,
        %get3A_421 = vector.shape_cast %get3A_420 : vector<1x16xf32> to vector<16xf32>
        %mul3A_422 = arith.mulf %gather3A_389, %get3A_421 : vector<16xf32>
        %add3A_423 = arith.addf %add3A_354, %mul3A_422 : vector<16xf32>
        %add3A_424 = arith.addf %add3A_355, %get3A_421 : vector<16xf32>
        %get3A_425 = arith.index_cast %scan3A_378 : i32 to index
        %get3A_426 = arith.constant 80 : index
        %get3A_427 = tpu.vector_load %arg6[%get3A_425, %get3A_426] {strides = array<i32>} : memref<128x128xf32, #tpu.memory_space<vmem>>, vector<1x16xf32>,
        %get3A_428 = vector.shape_cast %get3A_427 : vector<1x16xf32> to vector<16xf32>
        %mul3A_429 = arith.mulf %gather3A_389, %get3A_428 : vector<16xf32>
        %add3A_430 = arith.addf %add3A_361, %mul3A_429 : vector<16xf32>
        %add3A_431 = arith.addf %add3A_362, %get3A_428 : vector<16xf32>
        %get3A_432 = arith.index_cast %scan3A_378 : i32 to index
        %get3A_433 = arith.constant 96 : index
        %get3A_434 = tpu.vector_load %arg6[%get3A_432, %get3A_433] {strides = array<i32>} : memref<128x128xf32, #tpu.memory_space<vmem>>, vector<1x16xf32>,
        %get3A_435 = vector.shape_cast %get3A_434 : vector<1x16xf32> to vector<16xf32>
        %mul3A_436 = arith.mulf %gather3A_389, %get3A_435 : vector<16xf32>
        %add3A_437 = arith.addf %add3A_368, %mul3A_436 : vector<16xf32>
        %add3A_438 = arith.addf %add3A_369, %get3A_435 : vector<16xf32>
        %get3A_439 = arith.index_cast %scan3A_378 : i32 to index
        %get3A_440 = arith.constant 112 : index
        %get3A_441 = tpu.vector_load %arg6[%get3A_439, %get3A_440] {strides = array<i32>} : memref<128x128xf32, #tpu.memory_space<vmem>>, vector<1x16xf32>,
        %get3A_442 = vector.shape_cast %get3A_441 : vector<1x16xf32> to vector<16xf32>
        %mul3A_443 = arith.mulf %gather3A_389, %get3A_442 : vector<16xf32>
        %add3A_444 = arith.addf %add3A_375, %mul3A_443 : vector<16xf32>
        %add3A_445 = arith.addf %add3A_376, %get3A_442 : vector<16xf32>
        %scan3A_446 = arith.constant 3 : i32
        %scan3A_447 = arith.addi %scan3A_228, %scan3A_446 : i32
        %rem3A_448 = arith.constant 16 : i32
        %rem3A_449 = arith.remsi %scan3A_447, %rem3A_448 : i32
        %sub3A_450 = arith.subi %scan3A_447, %rem3A_449 : i32
        %get3A_451 = arith.index_cast %mul3A_28 : i32 to index
        %get3A_452 = arith.index_cast %sub3A_450 : i32 to index
        %get3A_453 = tpu.vector_load %arg8[%get3A_451, %get3A_452] {strides = array<i32>} : memref<32x128xf32, #tpu.memory_space<vmem>>, vector<1x16xf32>,
        %get3A_454 = vector.shape_cast %get3A_453 : vector<1x16xf32> to vector<16xf32>
        %broadcast_in_dim3A_455 = vector.broadcast %rem3A_449 : i32 to vector<16xi32>
        %broadcast_in_dim3A_456 = vector.shape_cast %broadcast_in_dim3A_455 : vector<16xi32> to vector<16x1xi32>
        %gather3A_457 = vector.shape_cast %broadcast_in_dim3A_456 : vector<16x1xi32> to vector<16xi32>
        %gather3A_458 = tpu.dynamic_gather %get3A_454[%gather3A_457] in [0] : vector<16xf32>, vector<16xi32> -> vector<16xf32>
        %get3A_459 = arith.index_cast %scan3A_447 : i32 to index
        %get3A_460 = arith.constant 0 : index
        %get3A_461 = tpu.vector_load %arg6[%get3A_459, %get3A_460] {strides = array<i32>} : memref<128x128xf32, #tpu.memory_space<vmem>>, vector<1x16xf32>,
        %get3A_462 = vector.shape_cast %get3A_461 : vector<1x16xf32> to vector<16xf32>
        %mul3A_463 = arith.mulf %gather3A_458, %get3A_462 : vector<16xf32>
        %add3A_464 = arith.addf %add3A_395, %mul3A_463 : vector<16xf32>
        %add3A_465 = arith.addf %add3A_396, %get3A_462 : vector<16xf32>
        %get3A_466 = arith.index_cast %scan3A_447 : i32 to index
        %get3A_467 = arith.constant 16 : index
        %get3A_468 = tpu.vector_load %arg6[%get3A_466, %get3A_467] {strides = array<i32>} : memref<128x128xf32, #tpu.memory_space<vmem>>, vector<1x16xf32>,
        %get3A_469 = vector.shape_cast %get3A_468 : vector<1x16xf32> to vector<16xf32>
        %mul3A_470 = arith.mulf %gather3A_458, %get3A_469 : vector<16xf32>
        %add3A_471 = arith.addf %add3A_402, %mul3A_470 : vector<16xf32>
        %add3A_472 = arith.addf %add3A_403, %get3A_469 : vector<16xf32>
        %get3A_473 = arith.index_cast %scan3A_447 : i32 to index
        %get3A_474 = arith.constant 32 : index
        %get3A_475 = tpu.vector_load %arg6[%get3A_473, %get3A_474] {strides = array<i32>} : memref<128x128xf32, #tpu.memory_space<vmem>>, vector<1x16xf32>,
        %get3A_476 = vector.shape_cast %get3A_475 : vector<1x16xf32> to vector<16xf32>
        %mul3A_477 = arith.mulf %gather3A_458, %get3A_476 : vector<16xf32>
        %add3A_478 = arith.addf %add3A_409, %mul3A_477 : vector<16xf32>
        %add3A_479 = arith.addf %add3A_410, %get3A_476 : vector<16xf32>
        %get3A_480 = arith.index_cast %scan3A_447 : i32 to index
        %get3A_481 = arith.constant 48 : index
        %get3A_482 = tpu.vector_load %arg6[%get3A_480, %get3A_481] {strides = array<i32>} : memref<128x128xf32, #tpu.memory_space<vmem>>, vector<1x16xf32>,
        %get3A_483 = vector.shape_cast %get3A_482 : vector<1x16xf32> to vector<16xf32>
        %mul3A_484 = arith.mulf %gather3A_458, %get3A_483 : vector<16xf32>
        %add3A_485 = arith.addf %add3A_416, %mul3A_484 : vector<16xf32>
        %add3A_486 = arith.addf %add3A_417, %get3A_483 : vector<16xf32>
        %get3A_487 = arith.index_cast %scan3A_447 : i32 to index
        %get3A_488 = arith.constant 64 : index
        %get3A_489 = tpu.vector_load %arg6[%get3A_487, %get3A_488] {strides = array<i32>} : memref<128x128xf32, #tpu.memory_space<vmem>>, vector<1x16xf32>,
        %get3A_490 = vector.shape_cast %get3A_489 : vector<1x16xf32> to vector<16xf32>
        %mul3A_491 = arith.mulf %gather3A_458, %get3A_490 : vector<16xf32>
        %add3A_492 = arith.addf %add3A_423, %mul3A_491 : vector<16xf32>
        %add3A_493 = arith.addf %add3A_424, %get3A_490 : vector<16xf32>
        %get3A_494 = arith.index_cast %scan3A_447 : i32 to index
        %get3A_495 = arith.constant 80 : index
        %get3A_496 = tpu.vector_load %arg6[%get3A_494, %get3A_495] {strides = array<i32>} : memref<128x128xf32, #tpu.memory_space<vmem>>, vector<1x16xf32>,
        %get3A_497 = vector.shape_cast %get3A_496 : vector<1x16xf32> to vector<16xf32>
        %mul3A_498 = arith.mulf %gather3A_458, %get3A_497 : vector<16xf32>
        %add3A_499 = arith.addf %add3A_430, %mul3A_498 : vector<16xf32>
        %add3A_500 = arith.addf %add3A_431, %get3A_497 : vector<16xf32>
        %get3A_501 = arith.index_cast %scan3A_447 : i32 to index
        %get3A_502 = arith.constant 96 : index
        %get3A_503 = tpu.vector_load %arg6[%get3A_501, %get3A_502] {strides = array<i32>} : memref<128x128xf32, #tpu.memory_space<vmem>>, vector<1x16xf32>,
        %get3A_504 = vector.shape_cast %get3A_503 : vector<1x16xf32> to vector<16xf32>
        %mul3A_505 = arith.mulf %gather3A_458, %get3A_504 : vector<16xf32>
        %add3A_506 = arith.addf %add3A_437, %mul3A_505 : vector<16xf32>
        %add3A_507 = arith.addf %add3A_438, %get3A_504 : vector<16xf32>
        %get3A_508 = arith.index_cast %scan3A_447 : i32 to index
        %get3A_509 = arith.constant 112 : index
        %get3A_510 = tpu.vector_load %arg6[%get3A_508, %get3A_509] {strides = array<i32>} : memref<128x128xf32, #tpu.memory_space<vmem>>, vector<1x16xf32>,
        %get3A_511 = vector.shape_cast %get3A_510 : vector<1x16xf32> to vector<16xf32>
        %mul3A_512 = arith.mulf %gather3A_458, %get3A_511 : vector<16xf32>
        %add3A_513 = arith.addf %add3A_444, %mul3A_512 : vector<16xf32>
        %add3A_514 = arith.addf %add3A_445, %get3A_511 : vector<16xf32>
        scf.yield %add3A_464, %add3A_471, %add3A_478, %add3A_485, %add3A_492, %add3A_499, %add3A_506, %add3A_513, %add3A_465, %add3A_472, %add3A_479, %add3A_486, %add3A_493, %add3A_500, %add3A_507, %add3A_514 : vector<16xf32>, vector<16xf32>, vector<16xf32>, vector<16xf32>, vector<16xf32>, vector<16xf32>, vector<16xf32>, vector<16xf32>, vector<16xf32>, vector<16xf32>, vector<16xf32>, vector<16xf32>, vector<16xf32>, vector<16xf32>, vector<16xf32>, vector<16xf32>
      }
      %scan3A_41 = arith.constant 128 : i32
      %swap3A = arith.index_cast %mul3A_28 : i32 to index
      %swap3A_42 = arith.constant 0 : index
      %swap3A_43 = tpu.vector_load %arg9[%swap3A, %swap3A_42] {strides = array<i32>} : memref<32x128xf32, #tpu.memory_space<vmem>>, vector<1x16xf32>,
      %swap3A_44 = vector.shape_cast %swap3A_43 : vector<1x16xf32> to vector<16xf32>
      %swap3A_45 = vector.shape_cast %scan3A_40#0 : vector<16xf32> to vector<1x16xf32>
      tpu.vector_store %arg9[%swap3A, %swap3A_42], %swap3A_45 {strides = array<i32>} : memref<32x128xf32, #tpu.memory_space<vmem>>, vector<1x16xf32>,
      %swap3A_46 = arith.index_cast %mul3A_28 : i32 to index
      %swap3A_47 = arith.constant 0 : index
      %swap3A_48 = tpu.vector_load %arg10[%swap3A_46, %swap3A_47] {strides = array<i32>} : memref<32x128xf32, #tpu.memory_space<vmem>>, vector<1x16xf32>,
      %swap3A_49 = vector.shape_cast %swap3A_48 : vector<1x16xf32> to vector<16xf32>
      %swap3A_50 = vector.shape_cast %scan3A_40#8 : vector<16xf32> to vector<1x16xf32>
      tpu.vector_store %arg10[%swap3A_46, %swap3A_47], %swap3A_50 {strides = array<i32>} : memref<32x128xf32, #tpu.memory_space<vmem>>, vector<1x16xf32>,
      %swap3A_51 = arith.index_cast %mul3A_28 : i32 to index
      %swap3A_52 = arith.constant 16 : index
      %swap3A_53 = tpu.vector_load %arg9[%swap3A_51, %swap3A_52] {strides = array<i32>} : memref<32x128xf32, #tpu.memory_space<vmem>>, vector<1x16xf32>,
      %swap3A_54 = vector.shape_cast %swap3A_53 : vector<1x16xf32> to vector<16xf32>
      %swap3A_55 = vector.shape_cast %scan3A_40#1 : vector<16xf32> to vector<1x16xf32>
      tpu.vector_store %arg9[%swap3A_51, %swap3A_52], %swap3A_55 {strides = array<i32>} : memref<32x128xf32, #tpu.memory_space<vmem>>, vector<1x16xf32>,
      %swap3A_56 = arith.index_cast %mul3A_28 : i32 to index
      %swap3A_57 = arith.constant 16 : index
      %swap3A_58 = tpu.vector_load %arg10[%swap3A_56, %swap3A_57] {strides = array<i32>} : memref<32x128xf32, #tpu.memory_space<vmem>>, vector<1x16xf32>,
      %swap3A_59 = vector.shape_cast %swap3A_58 : vector<1x16xf32> to vector<16xf32>
      %swap3A_60 = vector.shape_cast %scan3A_40#9 : vector<16xf32> to vector<1x16xf32>
      tpu.vector_store %arg10[%swap3A_56, %swap3A_57], %swap3A_60 {strides = array<i32>} : memref<32x128xf32, #tpu.memory_space<vmem>>, vector<1x16xf32>,
      %swap3A_61 = arith.index_cast %mul3A_28 : i32 to index
      %swap3A_62 = arith.constant 32 : index
      %swap3A_63 = tpu.vector_load %arg9[%swap3A_61, %swap3A_62] {strides = array<i32>} : memref<32x128xf32, #tpu.memory_space<vmem>>, vector<1x16xf32>,
      %swap3A_64 = vector.shape_cast %swap3A_63 : vector<1x16xf32> to vector<16xf32>
      %swap3A_65 = vector.shape_cast %scan3A_40#2 : vector<16xf32> to vector<1x16xf32>
      tpu.vector_store %arg9[%swap3A_61, %swap3A_62], %swap3A_65 {strides = array<i32>} : memref<32x128xf32, #tpu.memory_space<vmem>>, vector<1x16xf32>,
      %swap3A_66 = arith.index_cast %mul3A_28 : i32 to index
      %swap3A_67 = arith.constant 32 : index
      %swap3A_68 = tpu.vector_load %arg10[%swap3A_66, %swap3A_67] {strides = array<i32>} : memref<32x128xf32, #tpu.memory_space<vmem>>, vector<1x16xf32>,
      %swap3A_69 = vector.shape_cast %swap3A_68 : vector<1x16xf32> to vector<16xf32>
      %swap3A_70 = vector.shape_cast %scan3A_40#10 : vector<16xf32> to vector<1x16xf32>
      tpu.vector_store %arg10[%swap3A_66, %swap3A_67], %swap3A_70 {strides = array<i32>} : memref<32x128xf32, #tpu.memory_space<vmem>>, vector<1x16xf32>,
      %swap3A_71 = arith.index_cast %mul3A_28 : i32 to index
      %swap3A_72 = arith.constant 48 : index
      %swap3A_73 = tpu.vector_load %arg9[%swap3A_71, %swap3A_72] {strides = array<i32>} : memref<32x128xf32, #tpu.memory_space<vmem>>, vector<1x16xf32>,
      %swap3A_74 = vector.shape_cast %swap3A_73 : vector<1x16xf32> to vector<16xf32>
      %swap3A_75 = vector.shape_cast %scan3A_40#3 : vector<16xf32> to vector<1x16xf32>
      tpu.vector_store %arg9[%swap3A_71, %swap3A_72], %swap3A_75 {strides = array<i32>} : memref<32x128xf32, #tpu.memory_space<vmem>>, vector<1x16xf32>,
      %swap3A_76 = arith.index_cast %mul3A_28 : i32 to index
      %swap3A_77 = arith.constant 48 : index
      %swap3A_78 = tpu.vector_load %arg10[%swap3A_76, %swap3A_77] {strides = array<i32>} : memref<32x128xf32, #tpu.memory_space<vmem>>, vector<1x16xf32>,
      %swap3A_79 = vector.shape_cast %swap3A_78 : vector<1x16xf32> to vector<16xf32>
      %swap3A_80 = vector.shape_cast %scan3A_40#11 : vector<16xf32> to vector<1x16xf32>
      tpu.vector_store %arg10[%swap3A_76, %swap3A_77], %swap3A_80 {strides = array<i32>} : memref<32x128xf32, #tpu.memory_space<vmem>>, vector<1x16xf32>,
      %swap3A_81 = arith.index_cast %mul3A_28 : i32 to index
      %swap3A_82 = arith.constant 64 : index
      %swap3A_83 = tpu.vector_load %arg9[%swap3A_81, %swap3A_82] {strides = array<i32>} : memref<32x128xf32, #tpu.memory_space<vmem>>, vector<1x16xf32>,
      %swap3A_84 = vector.shape_cast %swap3A_83 : vector<1x16xf32> to vector<16xf32>
      %swap3A_85 = vector.shape_cast %scan3A_40#4 : vector<16xf32> to vector<1x16xf32>
      tpu.vector_store %arg9[%swap3A_81, %swap3A_82], %swap3A_85 {strides = array<i32>} : memref<32x128xf32, #tpu.memory_space<vmem>>, vector<1x16xf32>,
      %swap3A_86 = arith.index_cast %mul3A_28 : i32 to index
      %swap3A_87 = arith.constant 64 : index
      %swap3A_88 = tpu.vector_load %arg10[%swap3A_86, %swap3A_87] {strides = array<i32>} : memref<32x128xf32, #tpu.memory_space<vmem>>, vector<1x16xf32>,
      %swap3A_89 = vector.shape_cast %swap3A_88 : vector<1x16xf32> to vector<16xf32>
      %swap3A_90 = vector.shape_cast %scan3A_40#12 : vector<16xf32> to vector<1x16xf32>
      tpu.vector_store %arg10[%swap3A_86, %swap3A_87], %swap3A_90 {strides = array<i32>} : memref<32x128xf32, #tpu.memory_space<vmem>>, vector<1x16xf32>,
      %swap3A_91 = arith.index_cast %mul3A_28 : i32 to index
      %swap3A_92 = arith.constant 80 : index
      %swap3A_93 = tpu.vector_load %arg9[%swap3A_91, %swap3A_92] {strides = array<i32>} : memref<32x128xf32, #tpu.memory_space<vmem>>, vector<1x16xf32>,
      %swap3A_94 = vector.shape_cast %swap3A_93 : vector<1x16xf32> to vector<16xf32>
      %swap3A_95 = vector.shape_cast %scan3A_40#5 : vector<16xf32> to vector<1x16xf32>
      tpu.vector_store %arg9[%swap3A_91, %swap3A_92], %swap3A_95 {strides = array<i32>} : memref<32x128xf32, #tpu.memory_space<vmem>>, vector<1x16xf32>,
      %swap3A_96 = arith.index_cast %mul3A_28 : i32 to index
      %swap3A_97 = arith.constant 80 : index
      %swap3A_98 = tpu.vector_load %arg10[%swap3A_96, %swap3A_97] {strides = array<i32>} : memref<32x128xf32, #tpu.memory_space<vmem>>, vector<1x16xf32>,
      %swap3A_99 = vector.shape_cast %swap3A_98 : vector<1x16xf32> to vector<16xf32>
      %swap3A_100 = vector.shape_cast %scan3A_40#13 : vector<16xf32> to vector<1x16xf32>
      tpu.vector_store %arg10[%swap3A_96, %swap3A_97], %swap3A_100 {strides = array<i32>} : memref<32x128xf32, #tpu.memory_space<vmem>>, vector<1x16xf32>,
      %swap3A_101 = arith.index_cast %mul3A_28 : i32 to index
      %swap3A_102 = arith.constant 96 : index
      %swap3A_103 = tpu.vector_load %arg9[%swap3A_101, %swap3A_102] {strides = array<i32>} : memref<32x128xf32, #tpu.memory_space<vmem>>, vector<1x16xf32>,
      %swap3A_104 = vector.shape_cast %swap3A_103 : vector<1x16xf32> to vector<16xf32>
      %swap3A_105 = vector.shape_cast %scan3A_40#6 : vector<16xf32> to vector<1x16xf32>
      tpu.vector_store %arg9[%swap3A_101, %swap3A_102], %swap3A_105 {strides = array<i32>} : memref<32x128xf32, #tpu.memory_space<vmem>>, vector<1x16xf32>,
      %swap3A_106 = arith.index_cast %mul3A_28 : i32 to index
      %swap3A_107 = arith.constant 96 : index
      %swap3A_108 = tpu.vector_load %arg10[%swap3A_106, %swap3A_107] {strides = array<i32>} : memref<32x128xf32, #tpu.memory_space<vmem>>, vector<1x16xf32>,
      %swap3A_109 = vector.shape_cast %swap3A_108 : vector<1x16xf32> to vector<16xf32>
      %swap3A_110 = vector.shape_cast %scan3A_40#14 : vector<16xf32> to vector<1x16xf32>
      tpu.vector_store %arg10[%swap3A_106, %swap3A_107], %swap3A_110 {strides = array<i32>} : memref<32x128xf32, #tpu.memory_space<vmem>>, vector<1x16xf32>,
      %swap3A_111 = arith.index_cast %mul3A_28 : i32 to index
      %swap3A_112 = arith.constant 112 : index
      %swap3A_113 = tpu.vector_load %arg9[%swap3A_111, %swap3A_112] {strides = array<i32>} : memref<32x128xf32, #tpu.memory_space<vmem>>, vector<1x16xf32>,
      %swap3A_114 = vector.shape_cast %swap3A_113 : vector<1x16xf32> to vector<16xf32>
      %swap3A_115 = vector.shape_cast %scan3A_40#7 : vector<16xf32> to vector<1x16xf32>
      tpu.vector_store %arg9[%swap3A_111, %swap3A_112], %swap3A_115 {strides = array<i32>} : memref<32x128xf32, #tpu.memory_space<vmem>>, vector<1x16xf32>,
      %swap3A_116 = arith.index_cast %mul3A_28 : i32 to index
      %swap3A_117 = arith.constant 112 : index
      %swap3A_118 = tpu.vector_load %arg10[%swap3A_116, %swap3A_117] {strides = array<i32>} : memref<32x128xf32, #tpu.memory_space<vmem>>, vector<1x16xf32>,
      %swap3A_119 = vector.shape_cast %swap3A_118 : vector<1x16xf32> to vector<16xf32>
      %swap3A_120 = vector.shape_cast %scan3A_40#15 : vector<16xf32> to vector<1x16xf32>
      tpu.vector_store %arg10[%swap3A_116, %swap3A_117], %swap3A_120 {strides = array<i32>} : memref<32x128xf32, #tpu.memory_space<vmem>>, vector<1x16xf32>,
      %add3A_121 = arith.constant 2 : i32
      %add3A_122 = arith.addi %mul3A_28, %add3A_121 : i32
      %lt3A = arith.constant 32 : i32
      %lt3A_123 = arith.cmpi slt, %add3A_122, %lt3A : i32
      %convert_element_type3A = arith.extui %lt3A_123 : i1 to i32
      %cond3A = arith.constant 0 : i32
      %cond3A_124 = arith.cmpi ne, %convert_element_type3A, %cond3A : i32
      scf.if %cond3A_124 {
        %add3A_228 = arith.addi %min3A_3, %mul3A_28 : i32
        %add3A_229 = arith.constant 2 : i32
        %add3A_230 = arith.addi %add3A_228, %add3A_229 : i32
        %dma_start3A_231 = arith.constant 128 : i32
        %dma_start3A_232 = arith.constant 0 : i32
        %dma_start3A_233 = tpu.memref_slice %arg2[%dma_start3A_231, %add3A_230, %dma_start3A_232] : memref<256x1000x128xf32, #tpu.memory_space<hbm>> -> memref<128x1x128xf32, #tpu.memory_space<hbm>>
        %dma_start3A_234 = tpu.memref_squeeze %dma_start3A_233 : memref<128x1x128xf32, #tpu.memory_space<hbm>> -> memref<128x128xf32, #tpu.memory_space<hbm>>
        %dma_start3A_235 = arith.constant 128 : i32
        %dma_start3A_236 = arith.constant 0 : i32
        %dma_start3A_237 = tpu.memref_slice %arg2[%dma_start3A_235, %add3A_230, %dma_start3A_236] : memref<256x1000x128xf32, #tpu.memory_space<hbm>> -> memref<128x1x128xf32, #tpu.memory_space<hbm>>
        %dma_start3A_238 = tpu.memref_squeeze %dma_start3A_237 : memref<128x1x128xf32, #tpu.memory_space<hbm>> -> memref<128x128xf32, #tpu.memory_space<hbm>>
        tpu.enqueue_dma source(%dma_start3A_238 : memref<128x128xf32, #tpu.memory_space<hbm>>) target(%arg6 : memref<128x128xf32, #tpu.memory_space<vmem>>) target_semaphore(%arg11 : memref<!tpu.dma_semaphore, #tpu.memory_space<semaphore_mem>>)
      } else {
      }
      %dma_wait3A_125 = arith.constant 128 : i32
      %dma_wait3A_126 = arith.constant 0 : i32
      %dma_wait3A_127 = tpu.memref_slice %arg2[%dma_wait3A_125, %min3A_3, %dma_wait3A_126] : memref<256x1000x128xf32, #tpu.memory_space<hbm>> -> memref<128x1x128xf32, #tpu.memory_space<hbm>>
      %dma_wait3A_128 = tpu.memref_squeeze %dma_wait3A_127 : memref<128x1x128xf32, #tpu.memory_space<hbm>> -> memref<128x128xf32, #tpu.memory_space<hbm>>
      %dma_wait3A_129 = arith.constant 128 : i32
      %dma_wait3A_130 = arith.constant 0 : i32
      %dma_wait3A_131 = tpu.memref_slice %arg2[%dma_wait3A_129, %min3A_3, %dma_wait3A_130] : memref<256x1000x128xf32, #tpu.memory_space<hbm>> -> memref<128x1x128xf32, #tpu.memory_space<hbm>>
      %dma_wait3A_132 = tpu.memref_squeeze %dma_wait3A_131 : memref<128x1x128xf32, #tpu.memory_space<hbm>> -> memref<128x128xf32, #tpu.memory_space<hbm>>
      tpu.wait_dma2 semaphore(%arg12 : memref<!tpu.dma_semaphore, #tpu.memory_space<semaphore_mem>>) src(%dma_wait3A_132 : memref<128x128xf32, #tpu.memory_space<hbm>>) dst(%arg7 : memref<128x128xf32, #tpu.memory_space<vmem>>)
      %add3A_133 = arith.constant 1 : i32
      %add3A_134 = arith.addi %mul3A_28, %add3A_133 : i32
      %scan3A_135 = arith.constant 0 : i32
      %scan3A_136 = arith.constant 128 : i32
      %scan3A_137 = arith.addi %scan3A_135, %scan3A_136 : i32
      %scan3A_138 = arith.constant 4 : i32
      %scan3A_139:16 = scf.for %scan3A_228 = %scan3A_135 to %scan3A_137 step %scan3A_138 iter_args(%scan3A_229 = %broadcast_in_dim3A_21, %scan3A_230 = %broadcast_in_dim3A_21, %scan3A_231 = %broadcast_in_dim3A_21, %scan3A_232 = %broadcast_in_dim3A_21, %scan3A_233 = %broadcast_in_dim3A_21, %scan3A_234 = %broadcast_in_dim3A_21, %scan3A_235 = %broadcast_in_dim3A_21, %scan3A_236 = %broadcast_in_dim3A_21, %scan3A_237 = %broadcast_in_dim3A_21, %scan3A_238 = %broadcast_in_dim3A_21, %scan3A_239 = %broadcast_in_dim3A_21, %scan3A_240 = %broadcast_in_dim3A_21, %scan3A_241 = %broadcast_in_dim3A_21, %scan3A_242 = %broadcast_in_dim3A_21, %scan3A_243 = %broadcast_in_dim3A_21, %scan3A_244 = %broadcast_in_dim3A_21) -> (vector<16xf32>, vector<16xf32>, vector<16xf32>, vector<16xf32>, vector<16xf32>, vector<16xf32>, vector<16xf32>, vector<16xf32>, vector<16xf32>, vector<16xf32>, vector<16xf32>, vector<16xf32>, vector<16xf32>, vector<16xf32>, vector<16xf32>, vector<16xf32>)  : i32 {
        %rem3A = arith.constant 16 : i32
        %rem3A_245 = arith.remsi %scan3A_228, %rem3A : i32
        %sub3A = arith.subi %scan3A_228, %rem3A_245 : i32
        %get3A = arith.index_cast %add3A_134 : i32 to index
        %get3A_246 = arith.index_cast %sub3A : i32 to index
        %get3A_247 = tpu.vector_load %arg8[%get3A, %get3A_246] {strides = array<i32>} : memref<32x128xf32, #tpu.memory_space<vmem>>, vector<1x16xf32>,
        %get3A_248 = vector.shape_cast %get3A_247 : vector<1x16xf32> to vector<16xf32>
        %broadcast_in_dim3A_249 = vector.broadcast %rem3A_245 : i32 to vector<16xi32>
        %broadcast_in_dim3A_250 = vector.shape_cast %broadcast_in_dim3A_249 : vector<16xi32> to vector<16x1xi32>
        %gather3A = vector.shape_cast %broadcast_in_dim3A_250 : vector<16x1xi32> to vector<16xi32>
        %gather3A_251 = tpu.dynamic_gather %get3A_248[%gather3A] in [0] : vector<16xf32>, vector<16xi32> -> vector<16xf32>
        %get3A_252 = arith.index_cast %scan3A_228 : i32 to index
        %get3A_253 = arith.constant 0 : index
        %get3A_254 = tpu.vector_load %arg7[%get3A_252, %get3A_253] {strides = array<i32>} : memref<128x128xf32, #tpu.memory_space<vmem>>, vector<1x16xf32>,
        %get3A_255 = vector.shape_cast %get3A_254 : vector<1x16xf32> to vector<16xf32>
        %mul3A_256 = arith.mulf %gather3A_251, %get3A_255 : vector<16xf32>
        %add3A_257 = arith.addf %scan3A_229, %mul3A_256 : vector<16xf32>
        %add3A_258 = arith.addf %scan3A_237, %get3A_255 : vector<16xf32>
        %get3A_259 = arith.index_cast %scan3A_228 : i32 to index
        %get3A_260 = arith.constant 16 : index
        %get3A_261 = tpu.vector_load %arg7[%get3A_259, %get3A_260] {strides = array<i32>} : memref<128x128xf32, #tpu.memory_space<vmem>>, vector<1x16xf32>,
        %get3A_262 = vector.shape_cast %get3A_261 : vector<1x16xf32> to vector<16xf32>
        %mul3A_263 = arith.mulf %gather3A_251, %get3A_262 : vector<16xf32>
        %add3A_264 = arith.addf %scan3A_230, %mul3A_263 : vector<16xf32>
        %add3A_265 = arith.addf %scan3A_238, %get3A_262 : vector<16xf32>
        %get3A_266 = arith.index_cast %scan3A_228 : i32 to index
        %get3A_267 = arith.constant 32 : index
        %get3A_268 = tpu.vector_load %arg7[%get3A_266, %get3A_267] {strides = array<i32>} : memref<128x128xf32, #tpu.memory_space<vmem>>, vector<1x16xf32>,
        %get3A_269 = vector.shape_cast %get3A_268 : vector<1x16xf32> to vector<16xf32>
        %mul3A_270 = arith.mulf %gather3A_251, %get3A_269 : vector<16xf32>
        %add3A_271 = arith.addf %scan3A_231, %mul3A_270 : vector<16xf32>
        %add3A_272 = arith.addf %scan3A_239, %get3A_269 : vector<16xf32>
        %get3A_273 = arith.index_cast %scan3A_228 : i32 to index
        %get3A_274 = arith.constant 48 : index
        %get3A_275 = tpu.vector_load %arg7[%get3A_273, %get3A_274] {strides = array<i32>} : memref<128x128xf32, #tpu.memory_space<vmem>>, vector<1x16xf32>,
        %get3A_276 = vector.shape_cast %get3A_275 : vector<1x16xf32> to vector<16xf32>
        %mul3A_277 = arith.mulf %gather3A_251, %get3A_276 : vector<16xf32>
        %add3A_278 = arith.addf %scan3A_232, %mul3A_277 : vector<16xf32>
        %add3A_279 = arith.addf %scan3A_240, %get3A_276 : vector<16xf32>
        %get3A_280 = arith.index_cast %scan3A_228 : i32 to index
        %get3A_281 = arith.constant 64 : index
        %get3A_282 = tpu.vector_load %arg7[%get3A_280, %get3A_281] {strides = array<i32>} : memref<128x128xf32, #tpu.memory_space<vmem>>, vector<1x16xf32>,
        %get3A_283 = vector.shape_cast %get3A_282 : vector<1x16xf32> to vector<16xf32>
        %mul3A_284 = arith.mulf %gather3A_251, %get3A_283 : vector<16xf32>
        %add3A_285 = arith.addf %scan3A_233, %mul3A_284 : vector<16xf32>
        %add3A_286 = arith.addf %scan3A_241, %get3A_283 : vector<16xf32>
        %get3A_287 = arith.index_cast %scan3A_228 : i32 to index
        %get3A_288 = arith.constant 80 : index
        %get3A_289 = tpu.vector_load %arg7[%get3A_287, %get3A_288] {strides = array<i32>} : memref<128x128xf32, #tpu.memory_space<vmem>>, vector<1x16xf32>,
        %get3A_290 = vector.shape_cast %get3A_289 : vector<1x16xf32> to vector<16xf32>
        %mul3A_291 = arith.mulf %gather3A_251, %get3A_290 : vector<16xf32>
        %add3A_292 = arith.addf %scan3A_234, %mul3A_291 : vector<16xf32>
        %add3A_293 = arith.addf %scan3A_242, %get3A_290 : vector<16xf32>
        %get3A_294 = arith.index_cast %scan3A_228 : i32 to index
        %get3A_295 = arith.constant 96 : index
        %get3A_296 = tpu.vector_load %arg7[%get3A_294, %get3A_295] {strides = array<i32>} : memref<128x128xf32, #tpu.memory_space<vmem>>, vector<1x16xf32>,
        %get3A_297 = vector.shape_cast %get3A_296 : vector<1x16xf32> to vector<16xf32>
        %mul3A_298 = arith.mulf %gather3A_251, %get3A_297 : vector<16xf32>
        %add3A_299 = arith.addf %scan3A_235, %mul3A_298 : vector<16xf32>
        %add3A_300 = arith.addf %scan3A_243, %get3A_297 : vector<16xf32>
        %get3A_301 = arith.index_cast %scan3A_228 : i32 to index
        %get3A_302 = arith.constant 112 : index
        %get3A_303 = tpu.vector_load %arg7[%get3A_301, %get3A_302] {strides = array<i32>} : memref<128x128xf32, #tpu.memory_space<vmem>>, vector<1x16xf32>,
        %get3A_304 = vector.shape_cast %get3A_303 : vector<1x16xf32> to vector<16xf32>
        %mul3A_305 = arith.mulf %gather3A_251, %get3A_304 : vector<16xf32>
        %add3A_306 = arith.addf %scan3A_236, %mul3A_305 : vector<16xf32>
        %add3A_307 = arith.addf %scan3A_244, %get3A_304 : vector<16xf32>
        %scan3A_308 = arith.constant 1 : i32
        %scan3A_309 = arith.addi %scan3A_228, %scan3A_308 : i32
        %rem3A_310 = arith.constant 16 : i32
        %rem3A_311 = arith.remsi %scan3A_309, %rem3A_310 : i32
        %sub3A_312 = arith.subi %scan3A_309, %rem3A_311 : i32
        %get3A_313 = arith.index_cast %add3A_134 : i32 to index
        %get3A_314 = arith.index_cast %sub3A_312 : i32 to index
        %get3A_315 = tpu.vector_load %arg8[%get3A_313, %get3A_314] {strides = array<i32>} : memref<32x128xf32, #tpu.memory_space<vmem>>, vector<1x16xf32>,
        %get3A_316 = vector.shape_cast %get3A_315 : vector<1x16xf32> to vector<16xf32>
        %broadcast_in_dim3A_317 = vector.broadcast %rem3A_311 : i32 to vector<16xi32>
        %broadcast_in_dim3A_318 = vector.shape_cast %broadcast_in_dim3A_317 : vector<16xi32> to vector<16x1xi32>
        %gather3A_319 = vector.shape_cast %broadcast_in_dim3A_318 : vector<16x1xi32> to vector<16xi32>
        %gather3A_320 = tpu.dynamic_gather %get3A_316[%gather3A_319] in [0] : vector<16xf32>, vector<16xi32> -> vector<16xf32>
        %get3A_321 = arith.index_cast %scan3A_309 : i32 to index
        %get3A_322 = arith.constant 0 : index
        %get3A_323 = tpu.vector_load %arg7[%get3A_321, %get3A_322] {strides = array<i32>} : memref<128x128xf32, #tpu.memory_space<vmem>>, vector<1x16xf32>,
        %get3A_324 = vector.shape_cast %get3A_323 : vector<1x16xf32> to vector<16xf32>
        %mul3A_325 = arith.mulf %gather3A_320, %get3A_324 : vector<16xf32>
        %add3A_326 = arith.addf %add3A_257, %mul3A_325 : vector<16xf32>
        %add3A_327 = arith.addf %add3A_258, %get3A_324 : vector<16xf32>
        %get3A_328 = arith.index_cast %scan3A_309 : i32 to index
        %get3A_329 = arith.constant 16 : index
        %get3A_330 = tpu.vector_load %arg7[%get3A_328, %get3A_329] {strides = array<i32>} : memref<128x128xf32, #tpu.memory_space<vmem>>, vector<1x16xf32>,
        %get3A_331 = vector.shape_cast %get3A_330 : vector<1x16xf32> to vector<16xf32>
        %mul3A_332 = arith.mulf %gather3A_320, %get3A_331 : vector<16xf32>
        %add3A_333 = arith.addf %add3A_264, %mul3A_332 : vector<16xf32>
        %add3A_334 = arith.addf %add3A_265, %get3A_331 : vector<16xf32>
        %get3A_335 = arith.index_cast %scan3A_309 : i32 to index
        %get3A_336 = arith.constant 32 : index
        %get3A_337 = tpu.vector_load %arg7[%get3A_335, %get3A_336] {strides = array<i32>} : memref<128x128xf32, #tpu.memory_space<vmem>>, vector<1x16xf32>,
        %get3A_338 = vector.shape_cast %get3A_337 : vector<1x16xf32> to vector<16xf32>
        %mul3A_339 = arith.mulf %gather3A_320, %get3A_338 : vector<16xf32>
        %add3A_340 = arith.addf %add3A_271, %mul3A_339 : vector<16xf32>
        %add3A_341 = arith.addf %add3A_272, %get3A_338 : vector<16xf32>
        %get3A_342 = arith.index_cast %scan3A_309 : i32 to index
        %get3A_343 = arith.constant 48 : index
        %get3A_344 = tpu.vector_load %arg7[%get3A_342, %get3A_343] {strides = array<i32>} : memref<128x128xf32, #tpu.memory_space<vmem>>, vector<1x16xf32>,
        %get3A_345 = vector.shape_cast %get3A_344 : vector<1x16xf32> to vector<16xf32>
        %mul3A_346 = arith.mulf %gather3A_320, %get3A_345 : vector<16xf32>
        %add3A_347 = arith.addf %add3A_278, %mul3A_346 : vector<16xf32>
        %add3A_348 = arith.addf %add3A_279, %get3A_345 : vector<16xf32>
        %get3A_349 = arith.index_cast %scan3A_309 : i32 to index
        %get3A_350 = arith.constant 64 : index
        %get3A_351 = tpu.vector_load %arg7[%get3A_349, %get3A_350] {strides = array<i32>} : memref<128x128xf32, #tpu.memory_space<vmem>>, vector<1x16xf32>,
        %get3A_352 = vector.shape_cast %get3A_351 : vector<1x16xf32> to vector<16xf32>
        %mul3A_353 = arith.mulf %gather3A_320, %get3A_352 : vector<16xf32>
        %add3A_354 = arith.addf %add3A_285, %mul3A_353 : vector<16xf32>
        %add3A_355 = arith.addf %add3A_286, %get3A_352 : vector<16xf32>
        %get3A_356 = arith.index_cast %scan3A_309 : i32 to index
        %get3A_357 = arith.constant 80 : index
        %get3A_358 = tpu.vector_load %arg7[%get3A_356, %get3A_357] {strides = array<i32>} : memref<128x128xf32, #tpu.memory_space<vmem>>, vector<1x16xf32>,
        %get3A_359 = vector.shape_cast %get3A_358 : vector<1x16xf32> to vector<16xf32>
        %mul3A_360 = arith.mulf %gather3A_320, %get3A_359 : vector<16xf32>
        %add3A_361 = arith.addf %add3A_292, %mul3A_360 : vector<16xf32>
        %add3A_362 = arith.addf %add3A_293, %get3A_359 : vector<16xf32>
        %get3A_363 = arith.index_cast %scan3A_309 : i32 to index
        %get3A_364 = arith.constant 96 : index
        %get3A_365 = tpu.vector_load %arg7[%get3A_363, %get3A_364] {strides = array<i32>} : memref<128x128xf32, #tpu.memory_space<vmem>>, vector<1x16xf32>,
        %get3A_366 = vector.shape_cast %get3A_365 : vector<1x16xf32> to vector<16xf32>
        %mul3A_367 = arith.mulf %gather3A_320, %get3A_366 : vector<16xf32>
        %add3A_368 = arith.addf %add3A_299, %mul3A_367 : vector<16xf32>
        %add3A_369 = arith.addf %add3A_300, %get3A_366 : vector<16xf32>
        %get3A_370 = arith.index_cast %scan3A_309 : i32 to index
        %get3A_371 = arith.constant 112 : index
        %get3A_372 = tpu.vector_load %arg7[%get3A_370, %get3A_371] {strides = array<i32>} : memref<128x128xf32, #tpu.memory_space<vmem>>, vector<1x16xf32>,
        %get3A_373 = vector.shape_cast %get3A_372 : vector<1x16xf32> to vector<16xf32>
        %mul3A_374 = arith.mulf %gather3A_320, %get3A_373 : vector<16xf32>
        %add3A_375 = arith.addf %add3A_306, %mul3A_374 : vector<16xf32>
        %add3A_376 = arith.addf %add3A_307, %get3A_373 : vector<16xf32>
        %scan3A_377 = arith.constant 2 : i32
        %scan3A_378 = arith.addi %scan3A_228, %scan3A_377 : i32
        %rem3A_379 = arith.constant 16 : i32
        %rem3A_380 = arith.remsi %scan3A_378, %rem3A_379 : i32
        %sub3A_381 = arith.subi %scan3A_378, %rem3A_380 : i32
        %get3A_382 = arith.index_cast %add3A_134 : i32 to index
        %get3A_383 = arith.index_cast %sub3A_381 : i32 to index
        %get3A_384 = tpu.vector_load %arg8[%get3A_382, %get3A_383] {strides = array<i32>} : memref<32x128xf32, #tpu.memory_space<vmem>>, vector<1x16xf32>,
        %get3A_385 = vector.shape_cast %get3A_384 : vector<1x16xf32> to vector<16xf32>
        %broadcast_in_dim3A_386 = vector.broadcast %rem3A_380 : i32 to vector<16xi32>
        %broadcast_in_dim3A_387 = vector.shape_cast %broadcast_in_dim3A_386 : vector<16xi32> to vector<16x1xi32>
        %gather3A_388 = vector.shape_cast %broadcast_in_dim3A_387 : vector<16x1xi32> to vector<16xi32>
        %gather3A_389 = tpu.dynamic_gather %get3A_385[%gather3A_388] in [0] : vector<16xf32>, vector<16xi32> -> vector<16xf32>
        %get3A_390 = arith.index_cast %scan3A_378 : i32 to index
        %get3A_391 = arith.constant 0 : index
        %get3A_392 = tpu.vector_load %arg7[%get3A_390, %get3A_391] {strides = array<i32>} : memref<128x128xf32, #tpu.memory_space<vmem>>, vector<1x16xf32>,
        %get3A_393 = vector.shape_cast %get3A_392 : vector<1x16xf32> to vector<16xf32>
        %mul3A_394 = arith.mulf %gather3A_389, %get3A_393 : vector<16xf32>
        %add3A_395 = arith.addf %add3A_326, %mul3A_394 : vector<16xf32>
        %add3A_396 = arith.addf %add3A_327, %get3A_393 : vector<16xf32>
        %get3A_397 = arith.index_cast %scan3A_378 : i32 to index
        %get3A_398 = arith.constant 16 : index
        %get3A_399 = tpu.vector_load %arg7[%get3A_397, %get3A_398] {strides = array<i32>} : memref<128x128xf32, #tpu.memory_space<vmem>>, vector<1x16xf32>,
        %get3A_400 = vector.shape_cast %get3A_399 : vector<1x16xf32> to vector<16xf32>
        %mul3A_401 = arith.mulf %gather3A_389, %get3A_400 : vector<16xf32>
        %add3A_402 = arith.addf %add3A_333, %mul3A_401 : vector<16xf32>
        %add3A_403 = arith.addf %add3A_334, %get3A_400 : vector<16xf32>
        %get3A_404 = arith.index_cast %scan3A_378 : i32 to index
        %get3A_405 = arith.constant 32 : index
        %get3A_406 = tpu.vector_load %arg7[%get3A_404, %get3A_405] {strides = array<i32>} : memref<128x128xf32, #tpu.memory_space<vmem>>, vector<1x16xf32>,
        %get3A_407 = vector.shape_cast %get3A_406 : vector<1x16xf32> to vector<16xf32>
        %mul3A_408 = arith.mulf %gather3A_389, %get3A_407 : vector<16xf32>
        %add3A_409 = arith.addf %add3A_340, %mul3A_408 : vector<16xf32>
        %add3A_410 = arith.addf %add3A_341, %get3A_407 : vector<16xf32>
        %get3A_411 = arith.index_cast %scan3A_378 : i32 to index
        %get3A_412 = arith.constant 48 : index
        %get3A_413 = tpu.vector_load %arg7[%get3A_411, %get3A_412] {strides = array<i32>} : memref<128x128xf32, #tpu.memory_space<vmem>>, vector<1x16xf32>,
        %get3A_414 = vector.shape_cast %get3A_413 : vector<1x16xf32> to vector<16xf32>
        %mul3A_415 = arith.mulf %gather3A_389, %get3A_414 : vector<16xf32>
        %add3A_416 = arith.addf %add3A_347, %mul3A_415 : vector<16xf32>
        %add3A_417 = arith.addf %add3A_348, %get3A_414 : vector<16xf32>
        %get3A_418 = arith.index_cast %scan3A_378 : i32 to index
        %get3A_419 = arith.constant 64 : index
        %get3A_420 = tpu.vector_load %arg7[%get3A_418, %get3A_419] {strides = array<i32>} : memref<128x128xf32, #tpu.memory_space<vmem>>, vector<1x16xf32>,
        %get3A_421 = vector.shape_cast %get3A_420 : vector<1x16xf32> to vector<16xf32>
        %mul3A_422 = arith.mulf %gather3A_389, %get3A_421 : vector<16xf32>
        %add3A_423 = arith.addf %add3A_354, %mul3A_422 : vector<16xf32>
        %add3A_424 = arith.addf %add3A_355, %get3A_421 : vector<16xf32>
        %get3A_425 = arith.index_cast %scan3A_378 : i32 to index
        %get3A_426 = arith.constant 80 : index
        %get3A_427 = tpu.vector_load %arg7[%get3A_425, %get3A_426] {strides = array<i32>} : memref<128x128xf32, #tpu.memory_space<vmem>>, vector<1x16xf32>,
        %get3A_428 = vector.shape_cast %get3A_427 : vector<1x16xf32> to vector<16xf32>
        %mul3A_429 = arith.mulf %gather3A_389, %get3A_428 : vector<16xf32>
        %add3A_430 = arith.addf %add3A_361, %mul3A_429 : vector<16xf32>
        %add3A_431 = arith.addf %add3A_362, %get3A_428 : vector<16xf32>
        %get3A_432 = arith.index_cast %scan3A_378 : i32 to index
        %get3A_433 = arith.constant 96 : index
        %get3A_434 = tpu.vector_load %arg7[%get3A_432, %get3A_433] {strides = array<i32>} : memref<128x128xf32, #tpu.memory_space<vmem>>, vector<1x16xf32>,
        %get3A_435 = vector.shape_cast %get3A_434 : vector<1x16xf32> to vector<16xf32>
        %mul3A_436 = arith.mulf %gather3A_389, %get3A_435 : vector<16xf32>
        %add3A_437 = arith.addf %add3A_368, %mul3A_436 : vector<16xf32>
        %add3A_438 = arith.addf %add3A_369, %get3A_435 : vector<16xf32>
        %get3A_439 = arith.index_cast %scan3A_378 : i32 to index
        %get3A_440 = arith.constant 112 : index
        %get3A_441 = tpu.vector_load %arg7[%get3A_439, %get3A_440] {strides = array<i32>} : memref<128x128xf32, #tpu.memory_space<vmem>>, vector<1x16xf32>,
        %get3A_442 = vector.shape_cast %get3A_441 : vector<1x16xf32> to vector<16xf32>
        %mul3A_443 = arith.mulf %gather3A_389, %get3A_442 : vector<16xf32>
        %add3A_444 = arith.addf %add3A_375, %mul3A_443 : vector<16xf32>
        %add3A_445 = arith.addf %add3A_376, %get3A_442 : vector<16xf32>
        %scan3A_446 = arith.constant 3 : i32
        %scan3A_447 = arith.addi %scan3A_228, %scan3A_446 : i32
        %rem3A_448 = arith.constant 16 : i32
        %rem3A_449 = arith.remsi %scan3A_447, %rem3A_448 : i32
        %sub3A_450 = arith.subi %scan3A_447, %rem3A_449 : i32
        %get3A_451 = arith.index_cast %add3A_134 : i32 to index
        %get3A_452 = arith.index_cast %sub3A_450 : i32 to index
        %get3A_453 = tpu.vector_load %arg8[%get3A_451, %get3A_452] {strides = array<i32>} : memref<32x128xf32, #tpu.memory_space<vmem>>, vector<1x16xf32>,
        %get3A_454 = vector.shape_cast %get3A_453 : vector<1x16xf32> to vector<16xf32>
        %broadcast_in_dim3A_455 = vector.broadcast %rem3A_449 : i32 to vector<16xi32>
        %broadcast_in_dim3A_456 = vector.shape_cast %broadcast_in_dim3A_455 : vector<16xi32> to vector<16x1xi32>
        %gather3A_457 = vector.shape_cast %broadcast_in_dim3A_456 : vector<16x1xi32> to vector<16xi32>
        %gather3A_458 = tpu.dynamic_gather %get3A_454[%gather3A_457] in [0] : vector<16xf32>, vector<16xi32> -> vector<16xf32>
        %get3A_459 = arith.index_cast %scan3A_447 : i32 to index
        %get3A_460 = arith.constant 0 : index
        %get3A_461 = tpu.vector_load %arg7[%get3A_459, %get3A_460] {strides = array<i32>} : memref<128x128xf32, #tpu.memory_space<vmem>>, vector<1x16xf32>,
        %get3A_462 = vector.shape_cast %get3A_461 : vector<1x16xf32> to vector<16xf32>
        %mul3A_463 = arith.mulf %gather3A_458, %get3A_462 : vector<16xf32>
        %add3A_464 = arith.addf %add3A_395, %mul3A_463 : vector<16xf32>
        %add3A_465 = arith.addf %add3A_396, %get3A_462 : vector<16xf32>
        %get3A_466 = arith.index_cast %scan3A_447 : i32 to index
        %get3A_467 = arith.constant 16 : index
        %get3A_468 = tpu.vector_load %arg7[%get3A_466, %get3A_467] {strides = array<i32>} : memref<128x128xf32, #tpu.memory_space<vmem>>, vector<1x16xf32>,
        %get3A_469 = vector.shape_cast %get3A_468 : vector<1x16xf32> to vector<16xf32>
        %mul3A_470 = arith.mulf %gather3A_458, %get3A_469 : vector<16xf32>
        %add3A_471 = arith.addf %add3A_402, %mul3A_470 : vector<16xf32>
        %add3A_472 = arith.addf %add3A_403, %get3A_469 : vector<16xf32>
        %get3A_473 = arith.index_cast %scan3A_447 : i32 to index
        %get3A_474 = arith.constant 32 : index
        %get3A_475 = tpu.vector_load %arg7[%get3A_473, %get3A_474] {strides = array<i32>} : memref<128x128xf32, #tpu.memory_space<vmem>>, vector<1x16xf32>,
        %get3A_476 = vector.shape_cast %get3A_475 : vector<1x16xf32> to vector<16xf32>
        %mul3A_477 = arith.mulf %gather3A_458, %get3A_476 : vector<16xf32>
        %add3A_478 = arith.addf %add3A_409, %mul3A_477 : vector<16xf32>
        %add3A_479 = arith.addf %add3A_410, %get3A_476 : vector<16xf32>
        %get3A_480 = arith.index_cast %scan3A_447 : i32 to index
        %get3A_481 = arith.constant 48 : index
        %get3A_482 = tpu.vector_load %arg7[%get3A_480, %get3A_481] {strides = array<i32>} : memref<128x128xf32, #tpu.memory_space<vmem>>, vector<1x16xf32>,
        %get3A_483 = vector.shape_cast %get3A_482 : vector<1x16xf32> to vector<16xf32>
        %mul3A_484 = arith.mulf %gather3A_458, %get3A_483 : vector<16xf32>
        %add3A_485 = arith.addf %add3A_416, %mul3A_484 : vector<16xf32>
        %add3A_486 = arith.addf %add3A_417, %get3A_483 : vector<16xf32>
        %get3A_487 = arith.index_cast %scan3A_447 : i32 to index
        %get3A_488 = arith.constant 64 : index
        %get3A_489 = tpu.vector_load %arg7[%get3A_487, %get3A_488] {strides = array<i32>} : memref<128x128xf32, #tpu.memory_space<vmem>>, vector<1x16xf32>,
        %get3A_490 = vector.shape_cast %get3A_489 : vector<1x16xf32> to vector<16xf32>
        %mul3A_491 = arith.mulf %gather3A_458, %get3A_490 : vector<16xf32>
        %add3A_492 = arith.addf %add3A_423, %mul3A_491 : vector<16xf32>
        %add3A_493 = arith.addf %add3A_424, %get3A_490 : vector<16xf32>
        %get3A_494 = arith.index_cast %scan3A_447 : i32 to index
        %get3A_495 = arith.constant 80 : index
        %get3A_496 = tpu.vector_load %arg7[%get3A_494, %get3A_495] {strides = array<i32>} : memref<128x128xf32, #tpu.memory_space<vmem>>, vector<1x16xf32>,
        %get3A_497 = vector.shape_cast %get3A_496 : vector<1x16xf32> to vector<16xf32>
        %mul3A_498 = arith.mulf %gather3A_458, %get3A_497 : vector<16xf32>
        %add3A_499 = arith.addf %add3A_430, %mul3A_498 : vector<16xf32>
        %add3A_500 = arith.addf %add3A_431, %get3A_497 : vector<16xf32>
        %get3A_501 = arith.index_cast %scan3A_447 : i32 to index
        %get3A_502 = arith.constant 96 : index
        %get3A_503 = tpu.vector_load %arg7[%get3A_501, %get3A_502] {strides = array<i32>} : memref<128x128xf32, #tpu.memory_space<vmem>>, vector<1x16xf32>,
        %get3A_504 = vector.shape_cast %get3A_503 : vector<1x16xf32> to vector<16xf32>
        %mul3A_505 = arith.mulf %gather3A_458, %get3A_504 : vector<16xf32>
        %add3A_506 = arith.addf %add3A_437, %mul3A_505 : vector<16xf32>
        %add3A_507 = arith.addf %add3A_438, %get3A_504 : vector<16xf32>
        %get3A_508 = arith.index_cast %scan3A_447 : i32 to index
        %get3A_509 = arith.constant 112 : index
        %get3A_510 = tpu.vector_load %arg7[%get3A_508, %get3A_509] {strides = array<i32>} : memref<128x128xf32, #tpu.memory_space<vmem>>, vector<1x16xf32>,
        %get3A_511 = vector.shape_cast %get3A_510 : vector<1x16xf32> to vector<16xf32>
        %mul3A_512 = arith.mulf %gather3A_458, %get3A_511 : vector<16xf32>
        %add3A_513 = arith.addf %add3A_444, %mul3A_512 : vector<16xf32>
        %add3A_514 = arith.addf %add3A_445, %get3A_511 : vector<16xf32>
        scf.yield %add3A_464, %add3A_471, %add3A_478, %add3A_485, %add3A_492, %add3A_499, %add3A_506, %add3A_513, %add3A_465, %add3A_472, %add3A_479, %add3A_486, %add3A_493, %add3A_500, %add3A_507, %add3A_514 : vector<16xf32>, vector<16xf32>, vector<16xf32>, vector<16xf32>, vector<16xf32>, vector<16xf32>, vector<16xf32>, vector<16xf32>, vector<16xf32>, vector<16xf32>, vector<16xf32>, vector<16xf32>, vector<16xf32>, vector<16xf32>, vector<16xf32>, vector<16xf32>
      }
      %scan3A_140 = arith.constant 128 : i32
      %swap3A_141 = arith.index_cast %add3A_134 : i32 to index
      %swap3A_142 = arith.constant 0 : index
      %swap3A_143 = tpu.vector_load %arg9[%swap3A_141, %swap3A_142] {strides = array<i32>} : memref<32x128xf32, #tpu.memory_space<vmem>>, vector<1x16xf32>,
      %swap3A_144 = vector.shape_cast %swap3A_143 : vector<1x16xf32> to vector<16xf32>
      %swap3A_145 = vector.shape_cast %scan3A_139#0 : vector<16xf32> to vector<1x16xf32>
      tpu.vector_store %arg9[%swap3A_141, %swap3A_142], %swap3A_145 {strides = array<i32>} : memref<32x128xf32, #tpu.memory_space<vmem>>, vector<1x16xf32>,
      %swap3A_146 = arith.index_cast %add3A_134 : i32 to index
      %swap3A_147 = arith.constant 0 : index
      %swap3A_148 = tpu.vector_load %arg10[%swap3A_146, %swap3A_147] {strides = array<i32>} : memref<32x128xf32, #tpu.memory_space<vmem>>, vector<1x16xf32>,
      %swap3A_149 = vector.shape_cast %swap3A_148 : vector<1x16xf32> to vector<16xf32>
      %swap3A_150 = vector.shape_cast %scan3A_139#8 : vector<16xf32> to vector<1x16xf32>
      tpu.vector_store %arg10[%swap3A_146, %swap3A_147], %swap3A_150 {strides = array<i32>} : memref<32x128xf32, #tpu.memory_space<vmem>>, vector<1x16xf32>,
      %swap3A_151 = arith.index_cast %add3A_134 : i32 to index
      %swap3A_152 = arith.constant 16 : index
      %swap3A_153 = tpu.vector_load %arg9[%swap3A_151, %swap3A_152] {strides = array<i32>} : memref<32x128xf32, #tpu.memory_space<vmem>>, vector<1x16xf32>,
      %swap3A_154 = vector.shape_cast %swap3A_153 : vector<1x16xf32> to vector<16xf32>
      %swap3A_155 = vector.shape_cast %scan3A_139#1 : vector<16xf32> to vector<1x16xf32>
      tpu.vector_store %arg9[%swap3A_151, %swap3A_152], %swap3A_155 {strides = array<i32>} : memref<32x128xf32, #tpu.memory_space<vmem>>, vector<1x16xf32>,
      %swap3A_156 = arith.index_cast %add3A_134 : i32 to index
      %swap3A_157 = arith.constant 16 : index
      %swap3A_158 = tpu.vector_load %arg10[%swap3A_156, %swap3A_157] {strides = array<i32>} : memref<32x128xf32, #tpu.memory_space<vmem>>, vector<1x16xf32>,
      %swap3A_159 = vector.shape_cast %swap3A_158 : vector<1x16xf32> to vector<16xf32>
      %swap3A_160 = vector.shape_cast %scan3A_139#9 : vector<16xf32> to vector<1x16xf32>
      tpu.vector_store %arg10[%swap3A_156, %swap3A_157], %swap3A_160 {strides = array<i32>} : memref<32x128xf32, #tpu.memory_space<vmem>>, vector<1x16xf32>,
      %swap3A_161 = arith.index_cast %add3A_134 : i32 to index
      %swap3A_162 = arith.constant 32 : index
      %swap3A_163 = tpu.vector_load %arg9[%swap3A_161, %swap3A_162] {strides = array<i32>} : memref<32x128xf32, #tpu.memory_space<vmem>>, vector<1x16xf32>,
      %swap3A_164 = vector.shape_cast %swap3A_163 : vector<1x16xf32> to vector<16xf32>
      %swap3A_165 = vector.shape_cast %scan3A_139#2 : vector<16xf32> to vector<1x16xf32>
      tpu.vector_store %arg9[%swap3A_161, %swap3A_162], %swap3A_165 {strides = array<i32>} : memref<32x128xf32, #tpu.memory_space<vmem>>, vector<1x16xf32>,
      %swap3A_166 = arith.index_cast %add3A_134 : i32 to index
      %swap3A_167 = arith.constant 32 : index
      %swap3A_168 = tpu.vector_load %arg10[%swap3A_166, %swap3A_167] {strides = array<i32>} : memref<32x128xf32, #tpu.memory_space<vmem>>, vector<1x16xf32>,
      %swap3A_169 = vector.shape_cast %swap3A_168 : vector<1x16xf32> to vector<16xf32>
      %swap3A_170 = vector.shape_cast %scan3A_139#10 : vector<16xf32> to vector<1x16xf32>
      tpu.vector_store %arg10[%swap3A_166, %swap3A_167], %swap3A_170 {strides = array<i32>} : memref<32x128xf32, #tpu.memory_space<vmem>>, vector<1x16xf32>,
      %swap3A_171 = arith.index_cast %add3A_134 : i32 to index
      %swap3A_172 = arith.constant 48 : index
      %swap3A_173 = tpu.vector_load %arg9[%swap3A_171, %swap3A_172] {strides = array<i32>} : memref<32x128xf32, #tpu.memory_space<vmem>>, vector<1x16xf32>,
      %swap3A_174 = vector.shape_cast %swap3A_173 : vector<1x16xf32> to vector<16xf32>
      %swap3A_175 = vector.shape_cast %scan3A_139#3 : vector<16xf32> to vector<1x16xf32>
      tpu.vector_store %arg9[%swap3A_171, %swap3A_172], %swap3A_175 {strides = array<i32>} : memref<32x128xf32, #tpu.memory_space<vmem>>, vector<1x16xf32>,
      %swap3A_176 = arith.index_cast %add3A_134 : i32 to index
      %swap3A_177 = arith.constant 48 : index
      %swap3A_178 = tpu.vector_load %arg10[%swap3A_176, %swap3A_177] {strides = array<i32>} : memref<32x128xf32, #tpu.memory_space<vmem>>, vector<1x16xf32>,
      %swap3A_179 = vector.shape_cast %swap3A_178 : vector<1x16xf32> to vector<16xf32>
      %swap3A_180 = vector.shape_cast %scan3A_139#11 : vector<16xf32> to vector<1x16xf32>
      tpu.vector_store %arg10[%swap3A_176, %swap3A_177], %swap3A_180 {strides = array<i32>} : memref<32x128xf32, #tpu.memory_space<vmem>>, vector<1x16xf32>,
      %swap3A_181 = arith.index_cast %add3A_134 : i32 to index
      %swap3A_182 = arith.constant 64 : index
      %swap3A_183 = tpu.vector_load %arg9[%swap3A_181, %swap3A_182] {strides = array<i32>} : memref<32x128xf32, #tpu.memory_space<vmem>>, vector<1x16xf32>,
      %swap3A_184 = vector.shape_cast %swap3A_183 : vector<1x16xf32> to vector<16xf32>
      %swap3A_185 = vector.shape_cast %scan3A_139#4 : vector<16xf32> to vector<1x16xf32>
      tpu.vector_store %arg9[%swap3A_181, %swap3A_182], %swap3A_185 {strides = array<i32>} : memref<32x128xf32, #tpu.memory_space<vmem>>, vector<1x16xf32>,
      %swap3A_186 = arith.index_cast %add3A_134 : i32 to index
      %swap3A_187 = arith.constant 64 : index
      %swap3A_188 = tpu.vector_load %arg10[%swap3A_186, %swap3A_187] {strides = array<i32>} : memref<32x128xf32, #tpu.memory_space<vmem>>, vector<1x16xf32>,
      %swap3A_189 = vector.shape_cast %swap3A_188 : vector<1x16xf32> to vector<16xf32>
      %swap3A_190 = vector.shape_cast %scan3A_139#12 : vector<16xf32> to vector<1x16xf32>
      tpu.vector_store %arg10[%swap3A_186, %swap3A_187], %swap3A_190 {strides = array<i32>} : memref<32x128xf32, #tpu.memory_space<vmem>>, vector<1x16xf32>,
      %swap3A_191 = arith.index_cast %add3A_134 : i32 to index
      %swap3A_192 = arith.constant 80 : index
      %swap3A_193 = tpu.vector_load %arg9[%swap3A_191, %swap3A_192] {strides = array<i32>} : memref<32x128xf32, #tpu.memory_space<vmem>>, vector<1x16xf32>,
      %swap3A_194 = vector.shape_cast %swap3A_193 : vector<1x16xf32> to vector<16xf32>
      %swap3A_195 = vector.shape_cast %scan3A_139#5 : vector<16xf32> to vector<1x16xf32>
      tpu.vector_store %arg9[%swap3A_191, %swap3A_192], %swap3A_195 {strides = array<i32>} : memref<32x128xf32, #tpu.memory_space<vmem>>, vector<1x16xf32>,
      %swap3A_196 = arith.index_cast %add3A_134 : i32 to index
      %swap3A_197 = arith.constant 80 : index
      %swap3A_198 = tpu.vector_load %arg10[%swap3A_196, %swap3A_197] {strides = array<i32>} : memref<32x128xf32, #tpu.memory_space<vmem>>, vector<1x16xf32>,
      %swap3A_199 = vector.shape_cast %swap3A_198 : vector<1x16xf32> to vector<16xf32>
      %swap3A_200 = vector.shape_cast %scan3A_139#13 : vector<16xf32> to vector<1x16xf32>
      tpu.vector_store %arg10[%swap3A_196, %swap3A_197], %swap3A_200 {strides = array<i32>} : memref<32x128xf32, #tpu.memory_space<vmem>>, vector<1x16xf32>,
      %swap3A_201 = arith.index_cast %add3A_134 : i32 to index
      %swap3A_202 = arith.constant 96 : index
      %swap3A_203 = tpu.vector_load %arg9[%swap3A_201, %swap3A_202] {strides = array<i32>} : memref<32x128xf32, #tpu.memory_space<vmem>>, vector<1x16xf32>,
      %swap3A_204 = vector.shape_cast %swap3A_203 : vector<1x16xf32> to vector<16xf32>
      %swap3A_205 = vector.shape_cast %scan3A_139#6 : vector<16xf32> to vector<1x16xf32>
      tpu.vector_store %arg9[%swap3A_201, %swap3A_202], %swap3A_205 {strides = array<i32>} : memref<32x128xf32, #tpu.memory_space<vmem>>, vector<1x16xf32>,
      %swap3A_206 = arith.index_cast %add3A_134 : i32 to index
      %swap3A_207 = arith.constant 96 : index
      %swap3A_208 = tpu.vector_load %arg10[%swap3A_206, %swap3A_207] {strides = array<i32>} : memref<32x128xf32, #tpu.memory_space<vmem>>, vector<1x16xf32>,
      %swap3A_209 = vector.shape_cast %swap3A_208 : vector<1x16xf32> to vector<16xf32>
      %swap3A_210 = vector.shape_cast %scan3A_139#14 : vector<16xf32> to vector<1x16xf32>
      tpu.vector_store %arg10[%swap3A_206, %swap3A_207], %swap3A_210 {strides = array<i32>} : memref<32x128xf32, #tpu.memory_space<vmem>>, vector<1x16xf32>,
      %swap3A_211 = arith.index_cast %add3A_134 : i32 to index
      %swap3A_212 = arith.constant 112 : index
      %swap3A_213 = tpu.vector_load %arg9[%swap3A_211, %swap3A_212] {strides = array<i32>} : memref<32x128xf32, #tpu.memory_space<vmem>>, vector<1x16xf32>,
      %swap3A_214 = vector.shape_cast %swap3A_213 : vector<1x16xf32> to vector<16xf32>
      %swap3A_215 = vector.shape_cast %scan3A_139#7 : vector<16xf32> to vector<1x16xf32>
      tpu.vector_store %arg9[%swap3A_211, %swap3A_212], %swap3A_215 {strides = array<i32>} : memref<32x128xf32, #tpu.memory_space<vmem>>, vector<1x16xf32>,
      %swap3A_216 = arith.index_cast %add3A_134 : i32 to index
      %swap3A_217 = arith.constant 112 : index
      %swap3A_218 = tpu.vector_load %arg10[%swap3A_216, %swap3A_217] {strides = array<i32>} : memref<32x128xf32, #tpu.memory_space<vmem>>, vector<1x16xf32>,
      %swap3A_219 = vector.shape_cast %swap3A_218 : vector<1x16xf32> to vector<16xf32>
      %swap3A_220 = vector.shape_cast %scan3A_139#15 : vector<16xf32> to vector<1x16xf32>
      tpu.vector_store %arg10[%swap3A_216, %swap3A_217], %swap3A_220 {strides = array<i32>} : memref<32x128xf32, #tpu.memory_space<vmem>>, vector<1x16xf32>,
      %add3A_221 = arith.constant 3 : i32
      %add3A_222 = arith.addi %mul3A_28, %add3A_221 : i32
      %lt3A_223 = arith.constant 32 : i32
      %lt3A_224 = arith.cmpi slt, %add3A_222, %lt3A_223 : i32
      %convert_element_type3A_225 = arith.extui %lt3A_224 : i1 to i32
      %cond3A_226 = arith.constant 0 : i32
      %cond3A_227 = arith.cmpi ne, %convert_element_type3A_225, %cond3A_226 : i32
      scf.if %cond3A_227 {
        %add3A_228 = arith.addi %min3A_3, %mul3A_28 : i32
        %add3A_229 = arith.constant 3 : i32
        %add3A_230 = arith.addi %add3A_228, %add3A_229 : i32
        %dma_start3A_231 = arith.constant 128 : i32
        %dma_start3A_232 = arith.constant 0 : i32
        %dma_start3A_233 = tpu.memref_slice %arg2[%dma_start3A_231, %add3A_230, %dma_start3A_232] : memref<256x1000x128xf32, #tpu.memory_space<hbm>> -> memref<128x1x128xf32, #tpu.memory_space<hbm>>
        %dma_start3A_234 = tpu.memref_squeeze %dma_start3A_233 : memref<128x1x128xf32, #tpu.memory_space<hbm>> -> memref<128x128xf32, #tpu.memory_space<hbm>>
        %dma_start3A_235 = arith.constant 128 : i32
        %dma_start3A_236 = arith.constant 0 : i32
        %dma_start3A_237 = tpu.memref_slice %arg2[%dma_start3A_235, %add3A_230, %dma_start3A_236] : memref<256x1000x128xf32, #tpu.memory_space<hbm>> -> memref<128x1x128xf32, #tpu.memory_space<hbm>>
        %dma_start3A_238 = tpu.memref_squeeze %dma_start3A_237 : memref<128x1x128xf32, #tpu.memory_space<hbm>> -> memref<128x128xf32, #tpu.memory_space<hbm>>
        tpu.enqueue_dma source(%dma_start3A_238 : memref<128x128xf32, #tpu.memory_space<hbm>>) target(%arg7 : memref<128x128xf32, #tpu.memory_space<vmem>>) target_semaphore(%arg12 : memref<!tpu.dma_semaphore, #tpu.memory_space<semaphore_mem>>)
      } else {
      }
    }
    %scan3A_25 = arith.constant 16 : i32
    "tpu.region"() ({
      %run_scoped3A = tpu.sem_alloc : memref<!tpu.dma_semaphore, #tpu.memory_space<semaphore_mem>>
      %dma_start3A_26 = arith.constant 0 : i32
      %dma_start3A_27 = tpu.memref_slice %arg4[%min3A_3, %dma_start3A_26] : memref<1000x128xf32, #tpu.memory_space<hbm>> -> memref<32x128xf32, #tpu.memory_space<hbm>>
      %dma_start3A_28 = arith.constant 0 : i32
      %dma_start3A_29 = tpu.memref_slice %arg4[%min3A_3, %dma_start3A_28] : memref<1000x128xf32, #tpu.memory_space<hbm>> -> memref<32x128xf32, #tpu.memory_space<hbm>>
      tpu.enqueue_dma source(%arg9 : memref<32x128xf32, #tpu.memory_space<vmem>>) target(%dma_start3A_29 : memref<32x128xf32, #tpu.memory_space<hbm>>) target_semaphore(%run_scoped3A : memref<!tpu.dma_semaphore, #tpu.memory_space<semaphore_mem>>)
      %dma_wait3A = arith.constant 0 : i32
      %dma_wait3A_30 = tpu.memref_slice %arg4[%min3A_3, %dma_wait3A] : memref<1000x128xf32, #tpu.memory_space<hbm>> -> memref<32x128xf32, #tpu.memory_space<hbm>>
      %dma_wait3A_31 = arith.constant 0 : i32
      %dma_wait3A_32 = tpu.memref_slice %arg4[%min3A_3, %dma_wait3A_31] : memref<1000x128xf32, #tpu.memory_space<hbm>> -> memref<32x128xf32, #tpu.memory_space<hbm>>
      tpu.wait_dma2 semaphore(%run_scoped3A : memref<!tpu.dma_semaphore, #tpu.memory_space<semaphore_mem>>) src(%arg9 : memref<32x128xf32, #tpu.memory_space<vmem>>) dst(%dma_wait3A_32 : memref<32x128xf32, #tpu.memory_space<hbm>>)
      tpu.yield
    }) : () -> ()
    "tpu.region"() ({
      %run_scoped3A = tpu.sem_alloc : memref<!tpu.dma_semaphore, #tpu.memory_space<semaphore_mem>>
      %dma_start3A_26 = arith.constant 0 : i32
      %dma_start3A_27 = tpu.memref_slice %arg5[%min3A_3, %dma_start3A_26] : memref<1000x128xf32, #tpu.memory_space<hbm>> -> memref<32x128xf32, #tpu.memory_space<hbm>>
      %dma_start3A_28 = arith.constant 0 : i32
      %dma_start3A_29 = tpu.memref_slice %arg5[%min3A_3, %dma_start3A_28] : memref<1000x128xf32, #tpu.memory_space<hbm>> -> memref<32x128xf32, #tpu.memory_space<hbm>>
      tpu.enqueue_dma source(%arg10 : memref<32x128xf32, #tpu.memory_space<vmem>>) target(%dma_start3A_29 : memref<32x128xf32, #tpu.memory_space<hbm>>) target_semaphore(%run_scoped3A : memref<!tpu.dma_semaphore, #tpu.memory_space<semaphore_mem>>)
      %dma_wait3A = arith.constant 0 : i32
      %dma_wait3A_30 = tpu.memref_slice %arg5[%min3A_3, %dma_wait3A] : memref<1000x128xf32, #tpu.memory_space<hbm>> -> memref<32x128xf32, #tpu.memory_space<hbm>>
      %dma_wait3A_31 = arith.constant 0 : i32
      %dma_wait3A_32 = tpu.memref_slice %arg5[%min3A_3, %dma_wait3A_31] : memref<1000x128xf32, #tpu.memory_space<hbm>> -> memref<32x128xf32, #tpu.memory_space<hbm>>
      tpu.wait_dma2 semaphore(%run_scoped3A : memref<!tpu.dma_semaphore, #tpu.memory_space<semaphore_mem>>) src(%arg10 : memref<32x128xf32, #tpu.memory_space<vmem>>) dst(%dma_wait3A_32 : memref<32x128xf32, #tpu.memory_space<hbm>>)
      tpu.yield
    }) : () -> ()
    return
  }
}

module attributes {stable_mosaic.version = 14 : i64} {
  func.func @_tc_reduce_body(%arg0: i32, %arg1: memref<8x1000x128xf32, #tpu.memory_space<vmem>>, %arg2: memref<8x1000xi32, #tpu.memory_space<vmem>>, %arg3: memref<1000x128xf32, #tpu.memory_space<vmem>>, %arg4: memref<1000x128xf32, #tpu.memory_space<vmem>>, %arg5: memref<1000x128xf32, #tpu.memory_space<vmem>>, %arg6: memref<1000x128xf32, #tpu.memory_space<vmem>>) attributes {dimension_semantics = [#tpu.dimension_semantics<arbitrary>], iteration_bounds = array<i64: 16>, scalar_prefetch = 0 : i64, scratch_operands = 2 : i64, tpu.core_type = #tpu.core_type<tc>, window_params = [{transform_indices = @transform_0, window_bounds = array<i64: 8, 1000, 128>}, {transform_indices = @transform_1, window_bounds = array<i64: 8, 1000>}, {pipeline_mode = #tpu.pipeline_mode<synchronous>, transform_indices = @transform_2, window_bounds = array<i64: 1000, 128>}, {pipeline_mode = #tpu.pipeline_mode<synchronous>, transform_indices = @transform_3, window_bounds = array<i64: 1000, 128>}]} {
    %eq3A = arith.constant 0 : i32
    %eq3A_0 = arith.cmpi eq, %arg0, %eq3A : i32
    %convert_element_type3A = arith.extui %eq3A_0 : i1 to i32
    %cond3A = arith.constant 0 : i32
    %cond3A_1 = arith.cmpi ne, %convert_element_type3A, %cond3A : i32
    scf.if %cond3A_1 {
      %broadcast_in_dim3A_30 = arith.constant 0.000000e+00 : f32
      %broadcast_in_dim3A_31 = vector.broadcast %broadcast_in_dim3A_30 : f32 to vector<1000x128xf32>
      %swap3A_32 = arith.constant 0 : index
      %swap3A_33 = arith.constant 0 : index
      %swap3A_34 = vector.load %arg5[%swap3A_32, %swap3A_33] : memref<1000x128xf32, #tpu.memory_space<vmem>>, vector<1000x128xf32>
      tpu.vector_store %arg5[%swap3A_32, %swap3A_33], %broadcast_in_dim3A_31 {strides = array<i32>} : memref<1000x128xf32, #tpu.memory_space<vmem>>, vector<1000x128xf32>,
      %broadcast_in_dim3A_35 = arith.constant 0.000000e+00 : f32
      %broadcast_in_dim3A_36 = vector.broadcast %broadcast_in_dim3A_35 : f32 to vector<1000x128xf32>
      %swap3A_37 = arith.constant 0 : index
      %swap3A_38 = arith.constant 0 : index
      %swap3A_39 = vector.load %arg6[%swap3A_37, %swap3A_38] : memref<1000x128xf32, #tpu.memory_space<vmem>>, vector<1000x128xf32>
      tpu.vector_store %arg6[%swap3A_37, %swap3A_38], %broadcast_in_dim3A_36 {strides = array<i32>} : memref<1000x128xf32, #tpu.memory_space<vmem>>, vector<1000x128xf32>,
    } else {
    }
    %get3A = arith.constant 0 : index
    %get3A_2 = arith.constant 0 : index
    %get3A_3 = arith.constant 0 : index
    %get3A_4 = vector.load %arg1[%get3A, %get3A_2, %get3A_3] : memref<8x1000x128xf32, #tpu.memory_space<vmem>>, vector<8x1000x128xf32>
    %get3A_5 = arith.constant 0 : index
    %get3A_6 = arith.constant 0 : index
    %get3A_7 = vector.load %arg2[%get3A_5, %get3A_6] : memref<8x1000xi32, #tpu.memory_space<vmem>>, vector<8x1000xi32>
    %convert_element_type3A_8 = arith.sitofp %get3A_7 : vector<8x1000xi32> to vector<8x1000xf32>
    %get3A_9 = arith.constant 0 : index
    %get3A_10 = arith.constant 0 : index
    %get3A_11 = vector.load %arg5[%get3A_9, %get3A_10] : memref<1000x128xf32, #tpu.memory_space<vmem>>, vector<1000x128xf32>
    %broadcast_in_dim3A = vector.shape_cast %convert_element_type3A_8 : vector<8x1000xf32> to vector<8x1000x1xf32>
    %mul3A = vector.broadcast %broadcast_in_dim3A : vector<8x1000x1xf32> to vector<8x1000x128xf32>
    %mul3A_12 = arith.mulf %mul3A, %get3A_4 : vector<8x1000x128xf32>
    %reduce_sum3A = arith.constant dense<0.000000e+00> : vector<1000x128xf32>
    %reduce_sum3A_13 = vector.multi_reduction <add>, %mul3A_12, %reduce_sum3A [0] : vector<8x1000x128xf32> to vector<1000x128xf32>
    %add3A = arith.addf %get3A_11, %reduce_sum3A_13 : vector<1000x128xf32>
    %swap3A = arith.constant 0 : index
    %swap3A_14 = arith.constant 0 : index
    %swap3A_15 = vector.load %arg5[%swap3A, %swap3A_14] : memref<1000x128xf32, #tpu.memory_space<vmem>>, vector<1000x128xf32>
    tpu.vector_store %arg5[%swap3A, %swap3A_14], %add3A {strides = array<i32>} : memref<1000x128xf32, #tpu.memory_space<vmem>>, vector<1000x128xf32>,
    %get3A_16 = arith.constant 0 : index
    %get3A_17 = arith.constant 0 : index
    %get3A_18 = vector.load %arg6[%get3A_16, %get3A_17] : memref<1000x128xf32, #tpu.memory_space<vmem>>, vector<1000x128xf32>
    %reduce_sum3A_19 = arith.constant dense<0.000000e+00> : vector<1000x128xf32>
    %reduce_sum3A_20 = vector.multi_reduction <add>, %get3A_4, %reduce_sum3A_19 [0] : vector<8x1000x128xf32> to vector<1000x128xf32>
    %add3A_21 = arith.addf %get3A_18, %reduce_sum3A_20 : vector<1000x128xf32>
    %swap3A_22 = arith.constant 0 : index
    %swap3A_23 = arith.constant 0 : index
    %swap3A_24 = vector.load %arg6[%swap3A_22, %swap3A_23] : memref<1000x128xf32, #tpu.memory_space<vmem>>, vector<1000x128xf32>
    tpu.vector_store %arg6[%swap3A_22, %swap3A_23], %add3A_21 {strides = array<i32>} : memref<1000x128xf32, #tpu.memory_space<vmem>>, vector<1000x128xf32>,
    %eq3A_25 = arith.constant 15 : i32
    %eq3A_26 = arith.cmpi eq, %arg0, %eq3A_25 : i32
    %convert_element_type3A_27 = arith.extui %eq3A_26 : i1 to i32
    %cond3A_28 = arith.constant 0 : i32
    %cond3A_29 = arith.cmpi ne, %convert_element_type3A_27, %cond3A_28 : i32
    scf.if %cond3A_29 {
      %get3A_30 = arith.constant 0 : index
      %get3A_31 = arith.constant 0 : index
      %get3A_32 = vector.load %arg5[%get3A_30, %get3A_31] : memref<1000x128xf32, #tpu.memory_space<vmem>>, vector<1000x128xf32>
      %swap3A_33 = arith.constant 0 : index
      %swap3A_34 = arith.constant 0 : index
      %swap3A_35 = vector.load %arg3[%swap3A_33, %swap3A_34] : memref<1000x128xf32, #tpu.memory_space<vmem>>, vector<1000x128xf32>
      tpu.vector_store %arg3[%swap3A_33, %swap3A_34], %get3A_32 {strides = array<i32>} : memref<1000x128xf32, #tpu.memory_space<vmem>>, vector<1000x128xf32>,
      %get3A_36 = arith.constant 0 : index
      %get3A_37 = arith.constant 0 : index
      %get3A_38 = vector.load %arg6[%get3A_36, %get3A_37] : memref<1000x128xf32, #tpu.memory_space<vmem>>, vector<1000x128xf32>
      %swap3A_39 = arith.constant 0 : index
      %swap3A_40 = arith.constant 0 : index
      %swap3A_41 = vector.load %arg4[%swap3A_39, %swap3A_40] : memref<1000x128xf32, #tpu.memory_space<vmem>>, vector<1000x128xf32>
      tpu.vector_store %arg4[%swap3A_39, %swap3A_40], %get3A_38 {strides = array<i32>} : memref<1000x128xf32, #tpu.memory_space<vmem>>, vector<1000x128xf32>,
    } else {
    }
    return
  }
  func.func @transform_0(%arg0: i32) -> (i32, i32, i32) {
    %c0_i32 = arith.constant 0 : i32
    %c0_i32_0 = arith.constant 0 : i32
    %c0_i32_1 = arith.constant 0 : i32
    return %arg0, %c0_i32, %c0_i32_0 : i32, i32, i32
  }
  func.func @transform_1(%arg0: i32) -> (i32, i32) {
    %c0_i32 = arith.constant 0 : i32
    %c0_i32_0 = arith.constant 0 : i32
    return %arg0, %c0_i32 : i32, i32
  }
  func.func @transform_2(%arg0: i32) -> (i32, i32) {
    %c0_i32 = arith.constant 0 : i32
    %c0_i32_0 = arith.constant 0 : i32
    %c0_i32_1 = arith.constant 0 : i32
    return %c0_i32, %c0_i32_0 : i32, i32
  }
  func.func @transform_3(%arg0: i32) -> (i32, i32) {
    %c0_i32 = arith.constant 0 : i32
    %c0_i32_0 = arith.constant 0 : i32
    %c0_i32_1 = arith.constant 0 : i32
    return %c0_i32, %c0_i32_0 : i32, i32
  }
}

module attributes {stable_mosaic.version = 14 : i64} {
  func.func @_tc_finish_body(%arg0: memref<1000x128xf32, #tpu.memory_space<vmem>>, %arg1: memref<1000x128xf32, #tpu.memory_space<vmem>>, %arg2: memref<1000x128xf32, #tpu.memory_space<vmem>>, %arg3: memref<1000x128xf32, #tpu.memory_space<vmem>>, %arg4: memref<1000x256xf32, #tpu.memory_space<vmem>>, %arg5: memref<1000x128xf32, #tpu.memory_space<vmem>>, %arg6: memref<1x128xf32, #tpu.memory_space<vmem>>, %arg7: memref<256x128xf32, #tpu.memory_space<vmem>>, %arg8: memref<1x256xf32, #tpu.memory_space<vmem>>, %arg9: memref<128x256xf32, #tpu.memory_space<vmem>>, %arg10: memref<1x128xf32, #tpu.memory_space<vmem>>, %arg11: memref<1001x128xf32, #tpu.memory_space<vmem>>) attributes {dimension_semantics = [], scalar_prefetch = 0 : i64, scratch_operands = 0 : i64, tpu.core_type = #tpu.core_type<tc>} {
    %get3A = arith.constant 0 : index
    %get3A_0 = arith.constant 0 : index
    %get3A_1 = vector.load %arg4[%get3A, %get3A_0] : memref<1000x256xf32, #tpu.memory_space<vmem>>, vector<1000x256xf32>
    %reduce_sum3A = arith.constant dense<0.000000e+00> : vector<1000xf32>
    %reduce_sum3A_2 = vector.multi_reduction <add>, %get3A_1, %reduce_sum3A [1] : vector<1000x256xf32> to vector<1000xf32>
    %broadcast_in_dim3A = vector.shape_cast %reduce_sum3A_2 : vector<1000xf32> to vector<1000x1xf32>
    %get3A_3 = arith.constant 0 : index
    %get3A_4 = arith.constant 0 : index
    %get3A_5 = vector.load %arg0[%get3A_3, %get3A_4] : memref<1000x128xf32, #tpu.memory_space<vmem>>, vector<1000x128xf32>
    %get3A_6 = arith.constant 0 : index
    %get3A_7 = arith.constant 0 : index
    %get3A_8 = vector.load %arg2[%get3A_6, %get3A_7] : memref<1000x128xf32, #tpu.memory_space<vmem>>, vector<1000x128xf32>
    %add3A = arith.addf %get3A_5, %get3A_8 : vector<1000x128xf32>
    %get3A_9 = arith.constant 0 : index
    %get3A_10 = arith.constant 0 : index
    %get3A_11 = vector.load %arg1[%get3A_9, %get3A_10] : memref<1000x128xf32, #tpu.memory_space<vmem>>, vector<1000x128xf32>
    %get3A_12 = arith.constant 0 : index
    %get3A_13 = arith.constant 0 : index
    %get3A_14 = vector.load %arg3[%get3A_12, %get3A_13] : memref<1000x128xf32, #tpu.memory_space<vmem>>, vector<1000x128xf32>
    %add3A_15 = arith.addf %get3A_11, %get3A_14 : vector<1000x128xf32>
    %sub3A = arith.constant 2.560000e+02 : f32
    %sub3A_16 = vector.broadcast %sub3A : f32 to vector<1000x1xf32>
    %sub3A_17 = arith.subf %sub3A_16, %broadcast_in_dim3A : vector<1000x1xf32>
    %max3A = arith.constant 1.000000e+00 : f32
    %max3A_18 = vector.broadcast %max3A : f32 to vector<1000x1xf32>
    %max3A_19 = arith.maximumf %broadcast_in_dim3A, %max3A_18 : vector<1000x1xf32>
    %div3A = vector.broadcast %max3A_19 : vector<1000x1xf32> to vector<1000x128xf32>
    %div3A_20 = arith.divf %add3A, %div3A : vector<1000x128xf32>
    %sub3A_21 = arith.subf %add3A_15, %add3A : vector<1000x128xf32>
    %max3A_22 = arith.constant 1.000000e+00 : f32
    %max3A_23 = vector.broadcast %max3A_22 : f32 to vector<1000x1xf32>
    %max3A_24 = arith.maximumf %sub3A_17, %max3A_23 : vector<1000x1xf32>
    %div3A_25 = vector.broadcast %max3A_24 : vector<1000x1xf32> to vector<1000x128xf32>
    %div3A_26 = arith.divf %sub3A_21, %div3A_25 : vector<1000x128xf32>
    %mul3A = arith.constant 5.000000e-01 : f32
    %mul3A_27 = vector.broadcast %mul3A : f32 to vector<1000x128xf32>
    %mul3A_28 = arith.mulf %mul3A_27, %div3A_20 : vector<1000x128xf32>
    %get3A_29 = arith.constant 0 : index
    %get3A_30 = arith.constant 0 : index
    %get3A_31 = vector.load %arg5[%get3A_29, %get3A_30] : memref<1000x128xf32, #tpu.memory_space<vmem>>, vector<1000x128xf32>
    %mul3A_32 = arith.constant 5.000000e-01 : f32
    %mul3A_33 = vector.broadcast %mul3A_32 : f32 to vector<1000x128xf32>
    %mul3A_34 = arith.mulf %mul3A_33, %get3A_31 : vector<1000x128xf32>
    %add3A_35 = arith.addf %mul3A_28, %mul3A_34 : vector<1000x128xf32>
    %mul3A_36 = arith.constant 5.000000e-01 : f32
    %mul3A_37 = vector.broadcast %mul3A_36 : f32 to vector<1000x128xf32>
    %mul3A_38 = arith.mulf %mul3A_37, %div3A_26 : vector<1000x128xf32>
    %get3A_39 = arith.constant 0 : index
    %get3A_40 = arith.constant 0 : index
    %get3A_41 = vector.load %arg6[%get3A_39, %get3A_40] : memref<1x128xf32, #tpu.memory_space<vmem>>, vector<1x128xf32>
    %mul3A_42 = arith.constant 5.000000e-01 : f32
    %mul3A_43 = vector.broadcast %mul3A_42 : f32 to vector<1x128xf32>
    %mul3A_44 = arith.mulf %mul3A_43, %get3A_41 : vector<1x128xf32>
    %add3A_45 = vector.broadcast %mul3A_44 : vector<1x128xf32> to vector<1000x128xf32>
    %add3A_46 = arith.addf %mul3A_38, %add3A_45 : vector<1000x128xf32>
    %get3A_47 = arith.constant 0 : index
    %get3A_48 = arith.constant 0 : index
    %get3A_49 = vector.load %arg7[%get3A_47, %get3A_48] : memref<256x128xf32, #tpu.memory_space<vmem>>, vector<256x128xf32>
    %get3A_50 = arith.constant 0 : index
    %get3A_51 = arith.constant 0 : index
    %get3A_52 = vector.load %arg8[%get3A_50, %get3A_51] : memref<1x256xf32, #tpu.memory_space<vmem>>, vector<1x256xf32>
    %get3A_53 = arith.constant 0 : index
    %get3A_54 = arith.constant 0 : index
    %get3A_55 = vector.load %arg9[%get3A_53, %get3A_54] : memref<128x256xf32, #tpu.memory_space<vmem>>, vector<128x256xf32>
    %get3A_56 = arith.constant 0 : index
    %get3A_57 = arith.constant 0 : index
    %get3A_58 = vector.load %arg10[%get3A_56, %get3A_57] : memref<1x128xf32, #tpu.memory_space<vmem>>, vector<1x128xf32>
    %transpose3A = tpu.transpose %get3A_49, [1, 0] : vector<256x128xf32> -> vector<128x256xf32>
    %dot_general3A = arith.constant dense<0.000000e+00> : vector<1000x256xf32>
    %dot_general3A_59 = tpu.matmul %add3A_35, %transpose3A, %dot_general3A {dimension_numbers = #tpu.dot_dimension_numbers<[1], [0], [0], [1], [0, 0, 1, 1], [], []>, transpose_lhs_hint = false} : vector<1000x128xf32>, vector<128x256xf32>, vector<1000x256xf32> -> vector<1000x256xf32>
    %add3A_60 = vector.broadcast %get3A_52 : vector<1x256xf32> to vector<1000x256xf32>
    %add3A_61 = arith.addf %dot_general3A_59, %add3A_60 : vector<1000x256xf32>
    %max3A_62 = arith.constant 0.000000e+00 : f32
    %max3A_63 = vector.broadcast %max3A_62 : f32 to vector<1000x256xf32>
    %max3A_64 = arith.maximumf %add3A_61, %max3A_63 : vector<1000x256xf32>
    %transpose3A_65 = tpu.transpose %get3A_55, [1, 0] : vector<128x256xf32> -> vector<256x128xf32>
    %dot_general3A_66 = arith.constant dense<0.000000e+00> : vector<1000x128xf32>
    %dot_general3A_67 = tpu.matmul %max3A_64, %transpose3A_65, %dot_general3A_66 {dimension_numbers = #tpu.dot_dimension_numbers<[1], [0], [0], [1], [0, 0, 1, 1], [], []>, transpose_lhs_hint = false} : vector<1000x256xf32>, vector<256x128xf32>, vector<1000x128xf32> -> vector<1000x128xf32>
    %add3A_68 = vector.broadcast %get3A_58 : vector<1x128xf32> to vector<1000x128xf32>
    %add3A_69 = arith.addf %dot_general3A_67, %add3A_68 : vector<1000x128xf32>
    %gt3A = arith.constant 0.000000e+00 : f32
    %gt3A_70 = vector.broadcast %gt3A : f32 to vector<1000x1xf32>
    %gt3A_71 = arith.cmpf ogt, %broadcast_in_dim3A, %gt3A_70 : vector<1000x1xf32>
    %jit3A = arith.constant 0.000000e+00 : f32
    %broadcast_in_dim3A_72 = vector.shape_cast %gt3A_71 : vector<1000x1xi1> to vector<1000x1xi1>
    %broadcast_in_dim3A_73 = vector.broadcast %broadcast_in_dim3A_72 : vector<1000x1xi1> to vector<1000x128xi1>
    %broadcast_in_dim3A_74 = vector.broadcast %jit3A : f32 to vector<1000x128xf32>
    %select_n3A = arith.select %broadcast_in_dim3A_73, %add3A_69, %broadcast_in_dim3A_74 : vector<1000x128xi1>, vector<1000x128xf32>
    %transpose3A_75 = tpu.transpose %get3A_49, [1, 0] : vector<256x128xf32> -> vector<128x256xf32>
    %dot_general3A_76 = arith.constant dense<0.000000e+00> : vector<1000x256xf32>
    %dot_general3A_77 = tpu.matmul %add3A_46, %transpose3A_75, %dot_general3A_76 {dimension_numbers = #tpu.dot_dimension_numbers<[1], [0], [0], [1], [0, 0, 1, 1], [], []>, transpose_lhs_hint = false} : vector<1000x128xf32>, vector<128x256xf32>, vector<1000x256xf32> -> vector<1000x256xf32>
    %add3A_78 = vector.broadcast %get3A_52 : vector<1x256xf32> to vector<1000x256xf32>
    %add3A_79 = arith.addf %dot_general3A_77, %add3A_78 : vector<1000x256xf32>
    %max3A_80 = arith.constant 0.000000e+00 : f32
    %max3A_81 = vector.broadcast %max3A_80 : f32 to vector<1000x256xf32>
    %max3A_82 = arith.maximumf %add3A_79, %max3A_81 : vector<1000x256xf32>
    %transpose3A_83 = tpu.transpose %get3A_55, [1, 0] : vector<128x256xf32> -> vector<256x128xf32>
    %dot_general3A_84 = arith.constant dense<0.000000e+00> : vector<1000x128xf32>
    %dot_general3A_85 = tpu.matmul %max3A_82, %transpose3A_83, %dot_general3A_84 {dimension_numbers = #tpu.dot_dimension_numbers<[1], [0], [0], [1], [0, 0, 1, 1], [], []>, transpose_lhs_hint = false} : vector<1000x256xf32>, vector<256x128xf32>, vector<1000x128xf32> -> vector<1000x128xf32>
    %add3A_86 = vector.broadcast %get3A_58 : vector<1x128xf32> to vector<1000x128xf32>
    %add3A_87 = arith.addf %dot_general3A_85, %add3A_86 : vector<1000x128xf32>
    %gt3A_88 = arith.constant 0.000000e+00 : f32
    %gt3A_89 = vector.broadcast %gt3A_88 : f32 to vector<1000x1xf32>
    %gt3A_90 = arith.cmpf ogt, %sub3A_17, %gt3A_89 : vector<1000x1xf32>
    %convert_element_type3A = arith.extui %gt3A_90 : vector<1000x1xi1> to vector<1000x1xi32>
    %convert_element_type3A_91 = arith.sitofp %convert_element_type3A : vector<1000x1xi32> to vector<1000x1xf32>
    %mul3A_92 = vector.broadcast %convert_element_type3A_91 : vector<1000x1xf32> to vector<1000x128xf32>
    %mul3A_93 = arith.mulf %add3A_87, %mul3A_92 : vector<1000x128xf32>
    %reduce_sum3A_94 = arith.constant dense<0.000000e+00> : vector<128xf32>
    %reduce_sum3A_95 = vector.multi_reduction <add>, %mul3A_93, %reduce_sum3A_94 [0] : vector<1000x128xf32> to vector<128xf32>
    %broadcast_in_dim3A_96 = vector.shape_cast %reduce_sum3A_95 : vector<128xf32> to vector<1x128xf32>
    %reduce_sum3A_97 = vector.shape_cast %convert_element_type3A_91 : vector<1000x1xf32> to vector<1x1000x1xf32>
    %reduce_sum3A_98 = arith.constant dense<0.000000e+00> : vector<1xf32>
    %reduce_sum3A_99 = vector.multi_reduction <add>, %reduce_sum3A_97, %reduce_sum3A_98 [1, 2] : vector<1x1000x1xf32> to vector<1xf32>
    %reduce_sum3A_100 = vector.shape_cast %reduce_sum3A_99 : vector<1xf32> to vector<1x1x1xf32>
    %reduce_sum3A_101 = vector.extract %reduce_sum3A_100[0, 0, 0] : f32 from vector<1x1x1xf32>
    %max3A_102 = arith.constant 1.000000e+00 : f32
    %max3A_103 = arith.maximumf %reduce_sum3A_101, %max3A_102 : f32
    %div3A_104 = vector.broadcast %max3A_103 : f32 to vector<1x128xf32>
    %div3A_105 = arith.divf %broadcast_in_dim3A_96, %div3A_104 : vector<1x128xf32>
    %swap3A = arith.constant 0 : index
    %swap3A_106 = arith.constant 0 : index
    %swap3A_107 = vector.load %arg11[%swap3A, %swap3A_106] : memref<1001x128xf32, #tpu.memory_space<vmem>>, vector<1000x128xf32>
    tpu.vector_store %arg11[%swap3A, %swap3A_106], %select_n3A {strides = array<i32>} : memref<1001x128xf32, #tpu.memory_space<vmem>>, vector<1000x128xf32>,
    %swap3A_108 = arith.constant 1000 : index
    %swap3A_109 = arith.constant 0 : index
    %swap3A_110 = vector.load %arg11[%swap3A_108, %swap3A_109] : memref<1001x128xf32, #tpu.memory_space<vmem>>, vector<1x128xf32>
    tpu.vector_store %arg11[%swap3A_108, %swap3A_109], %div3A_105 {strides = array<i32>} : memref<1001x128xf32, #tpu.memory_space<vmem>>, vector<1x128xf32>,
    return
  }
}

</mosaic_0001>

<sc_bundles>
// kernel: _run.5.cloned.1.call-start
scs
__scs_entry_jumppad:
0x0: {  	(pc) =	sbr.rel $0x88, $3  }
0x1: {  	(tag) =	ssettag $0x0;
	lr =	simm.s32 $0x1  }
0x2: {  	[smem:$0x3F99] =	sst lr;
	_ =	strace $0xD0000000  }
0x3: {  	_ = 	snop  }
0x4: {  	_ = 	snop  }
0x5: {  	_ = 	snop  }
0x6: {  	_ = 	snop  }
0x7: {  	_ = 	snop  }
__scs_overlays_trampoline_lowered:
0x8: {  	[smem:$0x3FA8] =	sst s0  }
0x9: {  	[smem:$0x3FA9] =	sst s1  }
0xa: {  	[smem:$0x3FAA] =	sst s2  }
0xb: {  	[smem:$0x3FAB] =	sst s3  }
0xc: {  	[smem:$0x3FAC] =	sst s4  }
0xd: {  	[smem:$0x3FAD] =	sst s5  }
0xe: {  	[smem:$0x3FAE] =	sst s6  }
0xf: {  	[smem:$0x3FAF] =	sst s7  }
0x10: {  	[smem:$0x3FB0] =	sst s8  }
0x11: {  	[smem:$0x3FB1] =	sst s9;
	s0 =	simm.s32 @!p0 $0x0  }
0x12: {  	s1 =	sld [smem:$0x3F97];
	s0 =	simm.s32 @p0 $0x1  }
0x13: {  	[smem:$0x3FB2] =	sst s0;
	s0 =	simm.s32 @!p1 $0x0  }
0x14: {  	s2 =	sld [smem:$0x3F96];
	s0 =	simm.s32 @p1 $0x1  }
0x15: {  	[smem:$0x3FB3] =	sst s0;
	s0 =	simm.s32 @!p2 $0x0  }
0x16: {  	s3 =	sld [smem:$0x3FDB];
	s0 =	simm.s32 @p2 $0x1  }
0x17: {  	s4 =	simm.s32 $0x1BF5;
	[smem:$0x3FB5] =	sst s0  }
0x18: {  	s0 =	sld [smem:$0x3F98];
	_ =	swait.ge [sflag:s4], $0x0  }
0x19: {  	s7 =	sld [smem:$0x3F99]  }
0x1a: {  	s8 =	sadd.s32 $0xFFFFE003, lr  }
0x1b: {  	s9 =	sadd.s32 $0xFFFFFEF7, lr;
	s5 =	simm.s32 $0xFFFFFFFF;
	p2 =	slt.u32 s8, $0xFFFFF086  }
0x1c: {  	p1 =	slt.u32 s9, $0xF7A;
	s5 =	simm.s32 @!p2 $0x0  }
0x1d: {  	s5 =	simm.s32 @p1 $0x1;
	p0 =	seq.s32 s7, s2  }
0x1e: {  	s7 =	smul.u32 @!p0 $0xF7A, s2;
	p2 =	seq.s32 @!p0 s5, $0x0  }
0x1f: {  	s9 =	smul.u32 $0xF7A, s1;
	s8 =	simm.s32 @!p0 $0x1BF5;
	p2 =	por !p2, p0  }
0x20: {  	[sflag:s8] =	ssyncset.s32 @!p0 $0xFFFFF086;
	s6 =	sadd.s32 @!p0 s3, s7;
	s7 =	simm.s32 @!p0 $0x108  }
0x21: {  	s3 =	sadd.s32 s3, s9;
	s6 =	sadd.s32 @!p0 $0x88, s6;
	s7 =	simm.s32 @p2 $0x1082  }
0x22: {  	[simem:s7], [sflag:s8] =	dma.local @!p0 [hbm:s6], $0xF7A  }
0x23: {  	s9 =	sor.u32 $0xD0000000, s2;
	s6 =	simm.s32 $0x108;
	_ =	swait.ge @!p0 [sflag:s8], $0x0  }
0x24: {  	s3 =	sadd.s32 $0x88, s3;
	s6 =	simm.s32 @!p1 $0x1082;
	[sflag:s4] =	ssyncset.s32 $0xFFFFF086  }
0x25: {  	[simem:s6], [sflag:s4] =	dma.local [hbm:s3], $0xF7A  }
0x26: {  	[smem:$0x3F99] =	sst s1;
	(tag) =	ssettag s2;
	_ =	strace s9  }
0x27: {  	s1 =	sld [smem:$0x3FA9]  }
0x28: {  	s2 =	sld [smem:$0x3FAA]  }
0x29: {  	s4 =	sld [smem:$0x3FAC]  }
0x2a: {  	p0 =	seq.s32 s5, $0x0;
	s5 =	sld [smem:$0x3FAD]  }
0x2b: {  	s6 =	sld [smem:$0x3FAE]  }
0x2c: {  	s7 =	sld [smem:$0x3FAF]  }
0x2d: {  	s3 =	simm.s32 $0x108;
	s8 =	sld [smem:$0x3FB0]  }
0x2e: {  	s3 =	simm.s32 @!p0 $0x1082;
	s9 =	sld [smem:$0x3FB1]  }
0x2f: {  	lr =	sadd.s32 s0, s3;
	s0 =	sld [smem:$0x3FA8]  }
0x30: {  	s3 =	sld [smem:$0x3FAB]  }
0x31: {  	[smem:$0x3FB4] =	sst s10  }
0x32: {  	s10 =	sld [smem:$0x3FB2];
	_ =	sdelay $0x3  }
0x33: {  	p0 =	seq.s32 s10, $0x1;
	s10 =	sld [smem:$0x3FB4];
	_ =	sdelay $0x3  }
0x34: {  	[smem:$0x3FB4] =	sst s10  }
0x35: {  	s10 =	sld [smem:$0x3FB3];
	_ =	sdelay $0x3  }
0x36: {  	p1 =	seq.s32 s10, $0x1;
	s10 =	sld [smem:$0x3FB4];
	_ =	sdelay $0x3  }
0x37: {  	[smem:$0x3FB4] =	sst s10  }
0x38: {  	s10 =	sld [smem:$0x3FB5]  }
0x39: {  	_ = 	snop;
	(pc) =	sbr.ind lr, $3  }
0x3a: {  	_ = 	snop  }
0x3b: {  	_ = 	snop  }
0x3c: {  	p2 =	seq.s32 s10, $0x1;
	s10 =	sld [smem:$0x3FB4]  }
0x3d: {  	_ =	shalt  }
0x3e: {  	_ =	shalt  }
0x3f: {  	_ =	shalt  }
0x40: {  	_ =	shalt  }
0x41: {  	_ =	shalt  }
0x42: {  	_ =	shalt  }
0x43: {  	_ =	shalt  }
0x44: {  	_ =	shalt  }
0x45: {  	_ =	shalt  }
0x46: {  	_ =	shalt  }
0x47: {  	_ =	shalt  }
0x48: {  	_ =	shalt  }
0x49: {  	_ =	shalt  }
0x4a: {  	_ =	shalt  }
0x4b: {  	_ =	shalt  }
0x4c: {  	_ =	shalt  }
0x4d: {  	_ =	shalt  }
0x4e: {  	_ =	shalt  }
0x4f: {  	_ =	shalt  }
0x50: {  	_ =	shalt  }
0x51: {  	_ =	shalt  }
0x52: {  	_ =	shalt  }
0x53: {  	_ =	shalt  }
0x54: {  	_ =	shalt  }
0x55: {  	_ =	shalt  }
0x56: {  	_ =	shalt  }
0x57: {  	_ =	shalt  }
0x58: {  	_ =	shalt  }
0x59: {  	_ =	shalt  }
0x5a: {  	_ =	shalt  }
0x5b: {  	_ =	shalt  }
0x5c: {  	_ =	shalt  }
0x5d: {  	_ =	shalt  }
0x5e: {  	_ =	shalt  }
0x5f: {  	_ =	shalt  }
0x60: {  	_ =	shalt  }
0x61: {  	_ =	shalt  }
0x62: {  	_ =	shalt  }
0x63: {  	_ =	shalt  }
0x64: {  	_ =	shalt  }
0x65: {  	_ =	shalt  }
0x66: {  	_ =	shalt  }
0x67: {  	_ =	shalt  }
0x68: {  	_ =	shalt  }
0x69: {  	_ =	shalt  }
0x6a: {  	_ =	shalt  }
0x6b: {  	_ =	shalt  }
0x6c: {  	_ =	shalt  }
0x6d: {  	_ =	shalt  }
0x6e: {  	_ =	shalt  }
0x6f: {  	_ =	shalt  }
0x70: {  	_ =	shalt  }
0x71: {  	_ =	shalt  }
0x72: {  	_ =	shalt  }
0x73: {  	_ =	shalt  }
0x74: {  	_ =	shalt  }
0x75: {  	_ =	shalt  }
0x76: {  	_ =	shalt  }
0x77: {  	_ =	shalt  }
0x78: {  	_ =	shalt  }
0x79: {  	_ =	shalt  }
0x7a: {  	_ =	shalt  }
0x7b: {  	_ =	shalt  }
0x7c: {  	_ =	shalt  }
0x7d: {  	_ =	shalt  }
0x7e: {  	_ =	shalt  }
0x7f: {  	_ =	shalt  }
0x80: {  	_ =	shalt  }
0x81: {  	_ =	shalt  }
0x82: {  	_ =	shalt  }
0x83: {  	_ =	shalt  }
0x84: {  	_ =	shalt  }
0x85: {  	_ =	shalt  }
0x86: {  	_ =	shalt  }
0x87: {  	_ =	shalt  }
.Lfunc_end0:
.L_simem_size_0:
called_computation_lowered:
.L_overlay_start_0:
0x88: {  	s2 =	sld [smem:$0x3FD9]  }
0x89: {  	s3 =	sld [smem:$0x3FFE];
	_ =	sdelay $0x1  }
0x8a: {  	s1 =	srdreg.scid  }
0x8b: {  	s0 =	sand.u32 $0x1, s1  }
0x8c: {  	s17 =	sshll.u32 s0, $0xA;
	s2 =	sadd.s32 s3, s2  }
0x8d: {  	s2 =	sadd.s32 s2, s17  }
0x8e: {  	[smem:$0x3FC0] =	sst s2  }
0x8f: {  	_ = 	snop  }
0x90: {  	s2 =	sld [smem:$0x3FC9]  }
0x91: {  	s18 =	sld [smem:$0x3FD0];
	(tm) =	ssettm $0x1  }
0x92: {  	s4 =	sld [smem:$0x3FFB];
	_ =	sdelay $0x3  }
0x93: {  	_ =	strace s4  }
0x94: {  	s4 =	sld [smem:$0x3FFC];
	_ =	sdelay $0x3  }
0x95: {  	_ =	strace s4  }
0x96: {  	s4 =	sld [smem:$0x3FFD];
	_ =	sdelay $0x3  }
0x97: {  	_ =	strace s4  }
0x98: {  	_ =	strace $0x8FFFFFFF  }
0x99: {  	s19 =	sld [smem:$0x3FDB];
	_ =	sdelay $0x1  }
0x9a: {  	s5 =	simm.s32 $_scs_section_size  }
0x9b: {  	s6 =	simm.s32 $_size__tile_overlayer_lowered;
	s7 =	simm.s32 $_tile_overlayer_lowered  }
0x9c: {  	s22 =	simm.s32 $0x1BFF;
	s21 =	sshll.u32 s7, $0x1;
	s4 =	sadd.s32 s5, s19  }
0x9d: {  	s8 =	simm.s32 $0x0;
	s20 =	sshll.u32 s6, $0x1;
	s6 =	sadd.s32 s21, s4  }
0x9e: {  	[timem:s8], [sflag:s22] =	dma.local [hbm:s6], s20  }
0x9f: {  	_ =	swait.ge [sflag:s22], s20  }
0xa0: {  	s5 =	ssub.s32 $0x0, s20;
	[sflag:s22] =	ssyncset.done $0x0  }
0xa1: {  	[sflag:s22] =	ssyncadd.s32 s5;
	_ =	sdelay $0x1  }
0xa2: {  	s23 =	simm.s32 $0x1B8B  }
0xa3: {  	_ =	swait.ge [sflag:s23], $0x1  }
0xa4: {  	[sflag:s23] =	ssyncset.done $0x0  }
0xa5: {  	s25 =	simm.s32 $0x1B8E;
	s24 =	sld [smem:$0x3FFE];
	[sflag:s23] =	ssyncadd.s32 $0xFFFFFFFF  }
0xa6: {  	s26 =	simm.s32 $execute0_lowered;
	[smem:$0x3FD2] =	sst s25  }
0xa7: {  	s6 =	sshll.u32 s26, $0x1;
	_ =	strace $0x80000046;
	[dreg:$0x1] =	wrdreg $0xFFFFFFFF  }
0xa8: {  	s28 =	simm.s32 $_size_execute0_lowered;
	s4 =	sadd.s32 s4, s6;
	[dreg:$0x0] =	wrdreg $0x0  }
0xa9: {  	s6 =	sshll.u32 s28, $0x1;
	[dreg:$0x2] =	wrdreg s4  }
0xaa: {  	[dreg:$0x3] =	wrdreg s6  }
0xab: {  	[dreg:$0x4] =	wrdreg $0xC0  }
0xac: {  	_ =	task [dreg:s8], $0x5FFFF  }
0xad: {  	[dreg:$0x1] =	wrdreg $0xFFFFFFFF  }
0xae: {  	[dreg:$0x0] =	wrdreg $0x60  }
0xaf: {  	[dreg:$0x2] =	wrdreg s2  }
0xb0: {  	[dreg:$0x3] =	wrdreg s18  }
0xb1: {  	[dreg:$0x4] =	wrdreg s24  }
0xb2: {  	[dreg:$0x5] =	wrdreg $0x9  }
0xb3: {  	_ =	task.clear_ibuf [dreg:s8], $0x6FFFF;
	_ =	strace $0x90000046  }
0xb4: {  	s29 =	simm.s32 $0x9;
	_ =	strace $0x80000048  }
0xb5: {  	_ =	swait.ge [sflag:s29], $0x1  }
0xb6: {  	[sflag:s29] =	ssyncadd.s32 $0xFFFFFFFF  }
0xb7: {  	_ =	strace $0x90000048  }
0xb8: {  	_ =	sfence  }
0xb9: {  	s30 =	sld [smem:$0x0];
	_ =	sdelay $0x2  }
0xba: {  	s31 =	sshll.u32 s1, $0xD;
	s1 =	sshrl.u32 s1, $0x2  }
0xbb: {  	s3 =	sand.u32 $0x4000, s31;
	s1 =	sadd.s32 s1, s30  }
0xbc: {  	s0 =	sor.u32 s3, s0;
	s1 =	sshll.u32 s1, $0x11  }
0xbd: {  	s0 =	sor.u32 s1, s0  }
0xbe: {  	s0 =	sadd.s32 $0x8F2B, s0  }
0xbf: {  	[sflag:s0] =	ssyncadd.remote.s32 $0x1  }
0xc0: {  	_ =	sfence.sel $0xFFFF  }
0xc1: {  	[dreg:$0x0] =	wrdreg $0xFFFFFFFF;
	(pc) =	sbr.abs _section_cstart, $3  }
0xc2: {  	[dreg:$0x1] =	wrdreg $0xFFFFFFFF  }
0xc3: {  	_ =	task.clear_ibuf [dreg:s8], $0x2FFFF;
	_ =	strace $0x9FFFFFFF  }
0xc4: {  	(tm) =	ssettm $0x7FFFFFFF  }
0xc5: {  	_ =	shalt  }
tec
execute0_lowered:
.L_overlay_start_1:
0x0: {  	(tag) =	ssettag $0x1  }
0x1: {  	s6 =	rddreg [dreg:$0x0]  }
0x2: {  	s1 =	srdreg.scid;
	s7 =	rddreg [dreg:$0x1]  }
0x3: {  	s0 =	stileid.u32;
	s5 =	rddreg [dreg:$0x2]  }
0x4: {  	s2 =	simm.s32 $0x0;
	s12 =	simm.s32 $0x1F400;
	s13 =	simm.s32 $0x4000  }
0x5: {  	s14 =	simm.s32 $0x8000;
	s15 =	simm.s32 $0x3;
	s16 =	simm.s32 $0x1  }
0x6: {  	s17 =	simm.s32 $0x2;
	s18 =	simm.s32 $0x9000;
	s19 =	simm.s32 $0xA000  }
0x7: {  	s20 =	simm.s32 $0x0;
	s4 =	sand.u32 $0x1, s1;
	s1 =	rddreg [dreg:$0x3]  }
0x8: {  	s3 =	sshll.u32 s0, $0x6;
	[smem:$0x7FF] =	sst s2;
	s8 =	sshll.u32 s4, $0x5  }
0x9: {  	_ =	strace $0x80000047;
	s9 =	ssub.s32 $0x2, s4;
	s3 =	sor.u32 s8, s3  }
.Ltmp0:
0xa: {  	s31 =	sshrl.u32 s9, $0x1;
	s3 =	smin.u32 s3, $0x3C8;
	(pc) =	sbr.rel .LBB2_1-.Ltmp0, $4  }
0xb: {  	s4 =	sadd.s32 $0x1F4000, s6;
	s11 =	ssub.s32 s9, s31;
	s30 =	sshll.u32 s3, $0x4  }
0xc: {  	s10 =	sadd.s32 s30, s5;
	s5 =	sadd.s32 s30, s4;
	s6 =	sadd.s32 s30, s6  }
0xd: {  	s7 =	sadd.s32 s7, s30;
	s6 =	sadd.s32 $0x1F4010, s6;
	s8 =	sadd.s32 $0x1C00, s10  }
0xe: {  	s9 =	sadd.s32 $0x5C00, s10;
	s10 =	smax.u32 s11, $0x1;
	s11 =	simm.s32 $0x80  }
.LBB2_8:
0xf: {  	[hbm4b:s8+s2] =	stream.linear.scatter [tilespmem:s18], [sflag:$0x3], $0x1000, $0x38;
	[tilespmem:$0xB000] =	vst v63  }
0x10: {  	s20 =	sadd.s32 $0x1, s20;
	_ =	swait.ge [sflag:s15], $0x1000  }
0x11: {  	p0 =	sne.s32 s20, s10;
	[sflag:s15] =	ssyncset.done $0x0  }
.Ltmp1:
0x12: {  	[sflag:s15] =	ssyncadd.s32 $0xFFFFF000;
	(pc) =	sbr.rel @!p0 .LBB2_9-.Ltmp1, $4  }
0x13: {  	[hbm4b:s9+s2] =	stream.linear.scatter [tilespmem:s19], [sflag:$0x3], $0x1000, $0x38;
	[tilespmem:$0xB000] =	vst v63  }
0x14: {  	_ =	swait.ge [sflag:s15], $0x1000  }
0x15: {  	[sflag:s15] =	ssyncset.done $0x0  }
0x16: {  	[sflag:s15] =	ssyncadd.s32 $0xFFFFF000  }
.LBB2_1:
0x17: {  	[tilespmem:s2], [sflag:$0x1] =	stream.strided.gather [hbm4b:s5+s11], $0x4000, s12, s11, $0x38;
	[tilespmem:$0xB000] =	vst v63  }
0x18: {  	_ = 	snop  }
0x19: {  	[tilespmem:s13], [sflag:$0x2] =	stream.strided.gather [hbm4b:s6+s11], $0x4000, s12, s11, $0x38;
	[tilespmem:$0xB000] =	vst v63  }
0x1a: {  	_ = 	snop  }
0x1b: {  	[tilespmem:s14], [sflag:$0x3] =	stream.linear.gather [hbm4b:s7+s2], $0x1000, $0x38;
	[tilespmem:$0xB000] =	vst v63  }
0x1c: {  	_ =	swait.ge [sflag:s15], $0x1000  }
0x1d: {  	[sflag:s15] =	ssyncset.done $0x0  }
0x1e: {  	s21 =	simm.s32 $0x0;
	[sflag:s15] =	ssyncadd.s32 $0xFFFFF000  }
.LBB2_2:
0x1f: {  	s23 =	sshll.u32 s21, $0x8  }
0x20: {  	s22 =	sand.u32 $0x3FFFFF00, s23  }
0x21: {  	s22 =	sadd.s32 $0x8000, s22  }
0x22: {  	v10 =	vmov s22;
	_ =	sdelay $0x1  }
0x23: {  	_ =	swait.ge [sflag:s16], $0x4000  }
0x24: {  	s24 =	simm.s32 $0x0;
	[sflag:s16] =	ssyncset.done $0x0  }
0x25: {  	s28 =	sand.u32 $0x70, s24;
	[sflag:s16] =	ssyncadd.s32 $0xFFFFC000  }
0x26: {  	v15 =	vimm.f32 $0.0e+00;
	v18 =	vimm.f32 $0.0e+00;
	v17 =	vimm.f32 $0.0e+00;
	v22 =	vld.idx.msk [tilespmem:v10+s28+$0x0 ss:$0x1], $0xffff  }
0x27: {  	v16 =	vimm.f32 $0.0e+00;
	v14 =	vimm.f32 $0.0e+00;
	v13 =	vimm.f32 $0.0e+00;
	s22 =	simm.s32 $0x100  }
0x28: {  	v12 =	vimm.f32 $0.0e+00;
	v11 =	vimm.f32 $0.0e+00;
	v8 =	vimm.f32 $0.0e+00;
	v23 =	vld [tilespmem:s22+$0xFFFFFF00]  }
0x29: {  	v6 =	vimm.f32 $0.0e+00;
	v9 =	vimm.f32 $0.0e+00;
	v7 =	vimm.f32 $0.0e+00;
	s25 =	sand.u32 $0xC, s24;
	v24 =	vld [tilespmem:s22+$0xFFFFFF10]  }
0x2a: {  	s29 =	simm.s32 $0x3;
	s26 =	simm.s32 $0x1;
	v3 =	vimm.f32 $0.0e+00;
	v4 =	vimm.f32 $0.0e+00;
	v1 =	vmov s25;
	v25 =	vld [tilespmem:s22+$0xFFFFFF80]  }
0x2b: {  	s31 =	simm.s32 $0x2;
	v5 =	vimm.f32 $0.0e+00;
	v0 =	vmov s29;
	s30 =	sand.u32 $0xD, s26;
	v26 =	vld [tilespmem:s22+$0xFFFFFF90];
	v1 =	vperm.xlane v22, v1  }
0x2c: {  	v2 =	vimm.f32 $0.0e+00;
	v20 =	vmov s30;
	s25 =	sand.u32 $0xE, s31;
	v27 =	vld [tilespmem:s22+$0x0];
	v0 =	vperm.xlane v22, v0  }
.LBB2_3:
0x2d: {  	s26 =	sadd.s32 $0x7, s24;
	v28 =	vmul.f32 v23, v1;
	v21 =	vperm.xlane v22, v20;
	v20 =	vmov s25;
	v29 =	vld [tilespmem:s22+$0x10];
	s25 =	smov.u32 s24  }
0x2e: {  	v19 =	vmov s26;
	v30 =	vmul.f32 v24, v1;
	v20 =	vperm.xlane v22, v20;
	v22 =	vld [tilespmem:s22+$0x80]  }
0x2f: {  	v18 =	vadd.f32 v23, v18;
	v15 =	vadd.f32 v28, v15;
	v23 =	vmul.f32 v25, v21;
	v28 =	vld [tilespmem:s22+$0x90]  }
0x30: {  	v16 =	vadd.f32 v24, v16;
	v17 =	vadd.f32 v30, v17;
	v24 =	vld [tilespmem:s22+$0xFFFFFF20];
	v30 =	vmul.f32 v26, v21  }
0x31: {  	v18 =	vadd.f32 v25, v18;
	v31 =	vld [tilespmem:s22+$0xFFFFFF30];
	v15 =	vadd.f32 v23, v15;
	v23 =	vmul.f32 v27, v20  }
0x32: {  	v16 =	vadd.f32 v26, v16;
	v17 =	vadd.f32 v30, v17;
	v25 =	vld [tilespmem:s22+$0xFFFFFFA0];
	v26 =	vmul.f32 v29, v20  }
0x33: {  	v18 =	vadd.f32 v27, v18;
	v30 =	vld [tilespmem:s22+$0xFFFFFFB0];
	v15 =	vadd.f32 v23, v15;
	v23 =	vmul.f32 v22, v0  }
0x34: {  	v16 =	vadd.f32 v29, v16;
	v17 =	vadd.f32 v26, v17;
	v26 =	vld [tilespmem:s22+$0x20];
	v27 =	vmul.f32 v28, v0  }
0x35: {  	v18 =	vadd.f32 v22, v18;
	v29 =	vmul.f32 v24, v1;
	v32 =	vld [tilespmem:s22+$0x30];
	v15 =	vadd.f32 v23, v15  }
0x36: {  	v16 =	vadd.f32 v28, v16;
	v22 =	vmul.f32 v31, v1;
	v17 =	vadd.f32 v27, v17;
	v23 =	vld [tilespmem:s22+$0xA0]  }
0x37: {  	v13 =	vadd.f32 v24, v13;
	v14 =	vadd.f32 v29, v14;
	v24 =	vmul.f32 v25, v21;
	v27 =	vld [tilespmem:s22+$0xB0]  }
0x38: {  	v11 =	vadd.f32 v31, v11;
	v12 =	vadd.f32 v22, v12;
	v22 =	vld [tilespmem:s22+$0xFFFFFF40];
	v28 =	vmul.f32 v30, v21  }
0x39: {  	v13 =	vadd.f32 v25, v13;
	v29 =	vld [tilespmem:s22+$0xFFFFFF50];
	v14 =	vadd.f32 v24, v14;
	v24 =	vmul.f32 v26, v20  }
0x3a: {  	v11 =	vadd.f32 v30, v11;
	v12 =	vadd.f32 v28, v12;
	v25 =	vld [tilespmem:s22+$0xFFFFFFC0];
	v28 =	vmul.f32 v32, v20  }
0x3b: {  	v13 =	vadd.f32 v26, v13;
	v30 =	vld [tilespmem:s22+$0xFFFFFFD0];
	v14 =	vadd.f32 v24, v14;
	v24 =	vmul.f32 v23, v0  }
0x3c: {  	v11 =	vadd.f32 v32, v11;
	v12 =	vadd.f32 v28, v12;
	v26 =	vld [tilespmem:s22+$0x40];
	v28 =	vmul.f32 v27, v0  }
0x3d: {  	v13 =	vadd.f32 v23, v13;
	v31 =	vmul.f32 v22, v1;
	v32 =	vld [tilespmem:s22+$0x50];
	v14 =	vadd.f32 v24, v14  }
0x3e: {  	v11 =	vadd.f32 v27, v11;
	v23 =	vmul.f32 v29, v1;
	v12 =	vadd.f32 v28, v12;
	v24 =	vld [tilespmem:s22+$0xC0]  }
0x3f: {  	v6 =	vadd.f32 v22, v6;
	v8 =	vadd.f32 v31, v8;
	v22 =	vmul.f32 v25, v21;
	v27 =	vld [tilespmem:s22+$0xD0]  }
0x40: {  	v7 =	vadd.f32 v29, v7;
	v9 =	vadd.f32 v23, v9;
	v23 =	vld [tilespmem:s22+$0xFFFFFF60];
	v28 =	vmul.f32 v30, v21  }
0x41: {  	v6 =	vadd.f32 v25, v6;
	v29 =	vld [tilespmem:s22+$0xFFFFFF70];
	v8 =	vadd.f32 v22, v8;
	v22 =	vmul.f32 v26, v20  }
0x42: {  	v7 =	vadd.f32 v30, v7;
	v9 =	vadd.f32 v28, v9;
	v25 =	vld [tilespmem:s22+$0xFFFFFFE0];
	v28 =	vmul.f32 v32, v20  }
0x43: {  	v6 =	vadd.f32 v26, v6;
	v30 =	vld [tilespmem:s22+$0xFFFFFFF0];
	v8 =	vadd.f32 v22, v8;
	v22 =	vmul.f32 v24, v0  }
0x44: {  	v7 =	vadd.f32 v32, v7;
	v9 =	vadd.f32 v28, v9;
	v26 =	vld [tilespmem:s22+$0x60];
	v28 =	vmul.f32 v27, v0  }
0x45: {  	v6 =	vadd.f32 v24, v6;
	v31 =	vmul.f32 v23, v1;
	v32 =	vld [tilespmem:s22+$0x70];
	v8 =	vadd.f32 v22, v8  }
0x46: {  	s24 =	sadd.s32 $0x4, s24;
	v7 =	vadd.f32 v27, v7;
	v1 =	vmul.f32 v29, v1;
	v9 =	vadd.f32 v28, v9;
	v27 =	vld [tilespmem:s22+$0xE0]  }
0x47: {  	s26 =	sand.u32 $0x70, s24;
	p0 =	slt.u32 s24, $0x7C;
	v4 =	vadd.f32 v23, v4;
	v3 =	vadd.f32 v31, v3;
	v23 =	vmul.f32 v25, v21;
	v28 =	vld [tilespmem:s22+$0xF0]  }
0x48: {  	v2 =	vadd.f32 v29, v2;
	v22 =	vld.idx.msk [tilespmem:v10+s26+$0x0 ss:$0x1], $0xffff;
	v1 =	vadd.f32 v1, v5;
	v5 =	vmul.f32 v30, v21  }
0x49: {  	v4 =	vadd.f32 v25, v4;
	v3 =	vadd.f32 v23, v3;
	v21 =	vmul.f32 v26, v20  }
0x4a: {  	s22 =	sadd.s32 $0x200, s22;
	v2 =	vadd.f32 v30, v2;
	v1 =	vadd.f32 v5, v1;
	v5 =	vmul.f32 v32, v20  }
.Ltmp2:
0x4b: {  	v4 =	vadd.f32 v26, v4;
	v23 =	vld [tilespmem:s22+$0xFFFFFF00];
	v3 =	vadd.f32 v21, v3;
	v20 =	vmul.f32 v27, v0;
	(pc) =	sbr.rel @p0 .LBB2_3-.Ltmp2, $4  }
0x4c: {  	s26 =	sand.u32 $0xC, s24;
	v2 =	vadd.f32 v32, v2;
	v24 =	vld [tilespmem:s22+$0xFFFFFF10];
	v5 =	vadd.f32 v5, v1;
	v0 =	vmul.f32 v28, v0  }
0x4d: {  	v4 =	vadd.f32 v27, v4;
	v1 =	vmov s26;
	s26 =	sadd.s32 $0x5, s25;
	v25 =	vld [tilespmem:s22+$0xFFFFFF80];
	v3 =	vadd.f32 v20, v3  }
0x4e: {  	s25 =	sadd.s32 $0x6, s25;
	v2 =	vadd.f32 v28, v2;
	v1 =	vperm.xlane v22, v1;
	s26 =	sand.u32 $0xD, s26;
	v26 =	vld [tilespmem:s22+$0xFFFFFF90];
	v5 =	vadd.f32 v0, v5  }
0x4f: {  	s25 =	sand.u32 $0xE, s25;
	v20 =	vmov s26;
	v0 =	vperm.xlane v22, v19;
	v27 =	vld [tilespmem:s22+$0x0]  }
0x50: {  	v10 =	vld [tilespmem:s22+$0x10]  }
0x51: {  	v19 =	vld [tilespmem:s22+$0x80]  }
0x52: {  	v21 =	vld [tilespmem:s22+$0x90]  }
0x53: {  	v28 =	vld [tilespmem:s22+$0xFFFFFF20]  }
0x54: {  	v29 =	vld [tilespmem:s22+$0xFFFFFF30]  }
0x55: {  	v30 =	vmul.f32 v23, v1;
	v20 =	vperm.xlane v22, v20;
	v31 =	vld [tilespmem:s22+$0xFFFFFFA0];
	v32 =	vmov s25  }
0x56: {  	v34 =	vld [tilespmem:s22+$0xFFFFFFB0];
	v18 =	vadd.f32 v23, v18;
	v33 =	vmul.f32 v24, v1;
	v22 =	vperm.xlane v22, v32  }
0x57: {  	v58 =	vld [tilespmem:s22+$0xFFFFFF60];
	v16 =	vadd.f32 v24, v16;
	v15 =	vadd.f32 v30, v15;
	v53 =	vmul.f32 v25, v20  }
0x58: {  	v59 =	vld [tilespmem:s22+$0xFFFFFF70];
	v18 =	vadd.f32 v25, v18;
	v17 =	vadd.f32 v33, v17;
	v23 =	vmul.f32 v26, v20  }
0x59: {  	v54 =	vld [tilespmem:s22+$0x20];
	v16 =	vadd.f32 v26, v16;
	v15 =	vadd.f32 v53, v15  }
0x5a: {  	v55 =	vld [tilespmem:s22+$0x30];
	v24 =	vmul.f32 v27, v22;
	v18 =	vadd.f32 v27, v18;
	v17 =	vadd.f32 v23, v17  }
0x5b: {  	v56 =	vld [tilespmem:s22+$0xA0];
	v23 =	vmul.f32 v10, v22;
	v10 =	vadd.f32 v10, v16;
	v13 =	vadd.f32 v28, v13  }
0x5c: {  	v57 =	vld [tilespmem:s22+$0xD0];
	v16 =	vmul.f32 v28, v1;
	v11 =	vadd.f32 v29, v11;
	v4 =	vadd.f32 v58, v4  }
0x5d: {  	v26 =	vld [tilespmem:s22+$0xFFFFFF40];
	v2 =	vadd.f32 v59, v2;
	v15 =	vadd.f32 v24, v15;
	v24 =	vmul.f32 v19, v0  }
0x5e: {  	v62 =	vld [tilespmem:s22+$0x60];
	v18 =	vadd.f32 v19, v18;
	v19 =	vmul.f32 v29, v1;
	v17 =	vadd.f32 v23, v17  }
0x5f: {  	v27 =	vld [tilespmem:s22+$0xFFFFFF50];
	v23 =	vmul.f32 v21, v0;
	v10 =	vadd.f32 v21, v10;
	v14 =	vadd.f32 v16, v14  }
0x60: {  	v63 =	vld [tilespmem:s22+$0x70];
	v16 =	vmul.f32 v31, v20;
	v13 =	vadd.f32 v31, v13;
	v11 =	vadd.f32 v34, v11  }
0x61: {  	v25 =	vld [tilespmem:s22+$0xB0];
	v15 =	vadd.f32 v24, v15;
	v12 =	vadd.f32 v19, v12;
	v19 =	vmul.f32 v34, v20  }
0x62: {  	v28 =	vld [tilespmem:s22+$0x50];
	v60 =	vmul.f32 v26, v1;
	v6 =	vadd.f32 v26, v6;
	v17 =	vadd.f32 v23, v17  }
0x63: {  	v23 =	vld [tilespmem:s22+$0xFFFFFFD0];
	v14 =	vadd.f32 v16, v14;
	v16 =	vmul.f32 v54, v22;
	v13 =	vadd.f32 v54, v13  }
0x64: {  	v24 =	vld [tilespmem:s22+$0xFFFFFFC0];
	v11 =	vadd.f32 v55, v11;
	v61 =	vmul.f32 v27, v1;
	v7 =	vadd.f32 v27, v7  }
0x65: {  	v29 =	vld [tilespmem:s22+$0xC0];
	v12 =	vadd.f32 v19, v12;
	v19 =	vmul.f32 v55, v22;
	v8 =	vadd.f32 v60, v8  }
0x66: {  	v21 =	vld [tilespmem:s22+$0x40];
	v14 =	vadd.f32 v16, v14;
	v16 =	vmul.f32 v56, v0;
	v13 =	vadd.f32 v56, v13  }
0x67: {  	v27 =	vld [tilespmem:s22+$0xE0];
	v11 =	vadd.f32 v25, v11;
	v12 =	vadd.f32 v19, v12;
	v19 =	vmul.f32 v25, v0  }
0x68: {  	v9 =	vadd.f32 v61, v9;
	v14 =	vadd.f32 v16, v14;
	v16 =	vld [tilespmem:s22+$0xFFFFFFE0];
	v26 =	vmul.f32 v23, v20  }
0x69: {  	v25 =	vmul.f32 v24, v20;
	v6 =	vadd.f32 v24, v6;
	v12 =	vadd.f32 v19, v12;
	v19 =	vld [tilespmem:s22+$0xFFFFFFF0]  }
0x6a: {  	v24 =	vmul.f32 v28, v22;
	v7 =	vadd.f32 v23, v7;
	v9 =	vadd.f32 v26, v9;
	v26 =	vld [tilespmem:s22+$0xF0];
	[tilespmem:s23+$0x9000] =	vst v15  }
0x6b: {  	v8 =	vadd.f32 v25, v8;
	v25 =	vmul.f32 v21, v22;
	v6 =	vadd.f32 v21, v6;
	[tilespmem:s23+$0xA000] =	vst v18  }
0x6c: {  	v21 =	vmul.f32 v58, v1;
	v1 =	vmul.f32 v59, v1;
	v7 =	vadd.f32 v28, v7;
	[tilespmem:s23+$0x9010] =	vst v17  }
0x6d: {  	v15 =	vmul.f32 v29, v0;
	[tilespmem:s23+$0xA010] =	vst v10;
	v8 =	vadd.f32 v25, v8;
	v6 =	vadd.f32 v29, v6  }
0x6e: {  	v18 =	vmul.f32 v57, v0;
	[tilespmem:s23+$0x9020] =	vst v14;
	v3 =	vadd.f32 v21, v3;
	v1 =	vadd.f32 v1, v5  }
0x6f: {  	[tilespmem:s23+$0xA020] =	vst v13;
	v9 =	vadd.f32 v24, v9;
	v7 =	vadd.f32 v57, v7;
	v10 =	vmul.f32 v16, v20  }
0x70: {  	[tilespmem:s23+$0x9030] =	vst v12;
	v4 =	vadd.f32 v16, v4;
	v8 =	vadd.f32 v15, v8;
	v5 =	vmul.f32 v19, v20  }
0x71: {  	[tilespmem:s23+$0xA030] =	vst v11;
	v2 =	vadd.f32 v19, v2;
	v3 =	vadd.f32 v10, v3;
	v10 =	vmul.f32 v62, v22  }
0x72: {  	[tilespmem:s23+$0xA040] =	vst v6;
	v4 =	vadd.f32 v62, v4;
	v1 =	vadd.f32 v5, v1;
	v5 =	vmul.f32 v63, v22  }
0x73: {  	p0 =	seq.s32 s21, $0xF;
	s22 =	sshll.u32 s21, $0x1;
	v9 =	vadd.f32 v18, v9;
	[tilespmem:s23+$0xA050] =	vst v7;
	v3 =	vadd.f32 v10, v3;
	v10 =	vmul.f32 v27, v0  }
0x74: {  	s24 =	sadd.s32 @!p0 s3, s22;
	[tilespmem:s23+$0x9040] =	vst v8;
	v0 =	vmul.f32 v26, v0;
	v4 =	vadd.f32 v27, v4;
	v1 =	vadd.f32 v5, v1  }
0x75: {  	s30 =	sor.u32 $0x1, s22;
	s24 =	sshll.u32 @!p0 s24, $0x4;
	v2 =	vadd.f32 v63, v2;
	[tilespmem:s23+$0x9050] =	vst v9;
	v3 =	vadd.f32 v10, v3  }
0x76: {  	s25 =	sadd.s32 @!p0 $0x20, s24;
	s24 =	sshll.u32 s30, $0x7;
	[tilespmem:s23+$0xA060] =	vst v4;
	v0 =	vadd.f32 v0, v1  }
0x77: {  	s26 =	sand.u32 @!p0 $0xFFFFF80, s25;
	s25 =	sand.u32 @!p0 $0x60, s25;
	s28 =	sand.u32 $0x3FFFFF80, s24;
	v1 =	vadd.f32 v26, v2;
	[tilespmem:s23+$0x9060] =	vst v3  }
0x78: {  	s26 =	sadd.s32 @!p0 s26, s4;
	s31 =	sadd.s32 $0x8000, s28;
	s28 =	simm.s32 @!p0 $0x1F400;
	[tilespmem:s23+$0x9070] =	vst v0  }
0x79: {  	s25 =	sadd.s32 @!p0 s25, s26;
	s26 =	simm.s32 @!p0 $0x0;
	v10 =	vmov s31;
	[tilespmem:s23+$0xA070] =	vst v1;
	s23 =	simm.s32 @!p0 $0x80  }
0x7a: {  	[tilespmem:s26], [sflag:$0x1] =	stream.strided.gather @!p0 [hbm4b:s25+s23], $0x4000, s28, s23, $0x38;
	[tilespmem:$0xB000] =	vst v63  }
0x7b: {  	_ =	swait.ge [sflag:s17], $0x4000  }
0x7c: {  	s25 =	simm.s32 $0x0;
	[sflag:s17] =	ssyncset.done $0x0  }
0x7d: {  	s29 =	sand.u32 $0x70, s25;
	[sflag:s17] =	ssyncadd.s32 $0xFFFFC000  }
0x7e: {  	v17 =	vimm.f32 $0.0e+00;
	v14 =	vimm.f32 $0.0e+00;
	v13 =	vimm.f32 $0.0e+00;
	v22 =	vld.idx.msk [tilespmem:v10+s29+$0x0 ss:$0x1], $0xffff  }
0x7f: {  	v12 =	vimm.f32 $0.0e+00;
	v11 =	vimm.f32 $0.0e+00;
	v16 =	vimm.f32 $0.0e+00;
	s23 =	simm.s32 $0x4100  }
0x80: {  	v15 =	vimm.f32 $0.0e+00;
	v6 =	vimm.f32 $0.0e+00;
	v18 =	vimm.f32 $0.0e+00;
	v23 =	vld [tilespmem:s23+$0xFFFFFF00]  }
0x81: {  	v7 =	vimm.f32 $0.0e+00;
	v8 =	vimm.f32 $0.0e+00;
	v9 =	vimm.f32 $0.0e+00;
	s31 =	sand.u32 $0xC, s25;
	v24 =	vld [tilespmem:s23+$0xFFFFFF10]  }
0x82: {  	s30 =	simm.s32 $0x3;
	v5 =	vimm.f32 $0.0e+00;
	v4 =	vimm.f32 $0.0e+00;
	v1 =	vmov s31;
	s29 =	simm.s32 $0x1;
	v25 =	vld [tilespmem:s23+$0xFFFFFF80]  }
0x83: {  	v2 =	vimm.f32 $0.0e+00;
	v0 =	vmov s30;
	s31 =	simm.s32 $0x2;
	v26 =	vld [tilespmem:s23+$0xFFFFFF90];
	s30 =	sand.u32 $0xD, s29;
	v1 =	vperm.xlane v22, v1  }
0x84: {  	v3 =	vimm.f32 $0.0e+00;
	s26 =	sand.u32 $0xE, s31;
	v27 =	vld [tilespmem:s23+$0x0];
	v20 =	vmov s30;
	v0 =	vperm.xlane v22, v0  }
.LBB2_5:
0x85: {  	s28 =	sadd.s32 $0x7, s25;
	v28 =	vmul.f32 v23, v1;
	v21 =	vperm.xlane v22, v20;
	v20 =	vmov s26;
	v29 =	vld [tilespmem:s23+$0x10];
	s26 =	smov.u32 s25  }
0x86: {  	v19 =	vmov s28;
	v30 =	vmul.f32 v24, v1;
	v20 =	vperm.xlane v22, v20;
	v22 =	vld [tilespmem:s23+$0x80]  }
0x87: {  	v18 =	vadd.f32 v23, v18;
	v15 =	vadd.f32 v28, v15;
	v23 =	vmul.f32 v25, v21;
	v28 =	vld [tilespmem:s23+$0x90]  }
0x88: {  	v16 =	vadd.f32 v24, v16;
	v17 =	vadd.f32 v30, v17;
	v24 =	vld [tilespmem:s23+$0xFFFFFF20];
	v30 =	vmul.f32 v26, v21  }
0x89: {  	v18 =	vadd.f32 v25, v18;
	v31 =	vld [tilespmem:s23+$0xFFFFFF30];
	v15 =	vadd.f32 v23, v15;
	v23 =	vmul.f32 v27, v20  }
0x8a: {  	v16 =	vadd.f32 v26, v16;
	v17 =	vadd.f32 v30, v17;
	v25 =	vld [tilespmem:s23+$0xFFFFFFA0];
	v26 =	vmul.f32 v29, v20  }
0x8b: {  	v18 =	vadd.f32 v27, v18;
	v30 =	vld [tilespmem:s23+$0xFFFFFFB0];
	v15 =	vadd.f32 v23, v15;
	v23 =	vmul.f32 v22, v0  }
0x8c: {  	v16 =	vadd.f32 v29, v16;
	v17 =	vadd.f32 v26, v17;
	v26 =	vld [tilespmem:s23+$0x20];
	v27 =	vmul.f32 v28, v0  }
0x8d: {  	v18 =	vadd.f32 v22, v18;
	v29 =	vmul.f32 v24, v1;
	v32 =	vld [tilespmem:s23+$0x30];
	v15 =	vadd.f32 v23, v15  }
0x8e: {  	v16 =	vadd.f32 v28, v16;
	v22 =	vmul.f32 v31, v1;
	v17 =	vadd.f32 v27, v17;
	v23 =	vld [tilespmem:s23+$0xA0]  }
0x8f: {  	v13 =	vadd.f32 v24, v13;
	v14 =	vadd.f32 v29, v14;
	v24 =	vmul.f32 v25, v21;
	v27 =	vld [tilespmem:s23+$0xB0]  }
0x90: {  	v11 =	vadd.f32 v31, v11;
	v12 =	vadd.f32 v22, v12;
	v22 =	vld [tilespmem:s23+$0xFFFFFF40];
	v28 =	vmul.f32 v30, v21  }
0x91: {  	v13 =	vadd.f32 v25, v13;
	v29 =	vld [tilespmem:s23+$0xFFFFFF50];
	v14 =	vadd.f32 v24, v14;
	v24 =	vmul.f32 v26, v20  }
0x92: {  	v11 =	vadd.f32 v30, v11;
	v12 =	vadd.f32 v28, v12;
	v25 =	vld [tilespmem:s23+$0xFFFFFFC0];
	v28 =	vmul.f32 v32, v20  }
0x93: {  	v13 =	vadd.f32 v26, v13;
	v30 =	vld [tilespmem:s23+$0xFFFFFFD0];
	v14 =	vadd.f32 v24, v14;
	v24 =	vmul.f32 v23, v0  }
0x94: {  	v11 =	vadd.f32 v32, v11;
	v12 =	vadd.f32 v28, v12;
	v26 =	vld [tilespmem:s23+$0x40];
	v28 =	vmul.f32 v27, v0  }
0x95: {  	v13 =	vadd.f32 v23, v13;
	v31 =	vmul.f32 v22, v1;
	v32 =	vld [tilespmem:s23+$0x50];
	v14 =	vadd.f32 v24, v14  }
0x96: {  	v11 =	vadd.f32 v27, v11;
	v23 =	vmul.f32 v29, v1;
	v12 =	vadd.f32 v28, v12;
	v24 =	vld [tilespmem:s23+$0xC0]  }
0x97: {  	v6 =	vadd.f32 v22, v6;
	v8 =	vadd.f32 v31, v8;
	v22 =	vmul.f32 v25, v21;
	v27 =	vld [tilespmem:s23+$0xD0]  }
0x98: {  	v7 =	vadd.f32 v29, v7;
	v9 =	vadd.f32 v23, v9;
	v23 =	vld [tilespmem:s23+$0xFFFFFF60];
	v28 =	vmul.f32 v30, v21  }
0x99: {  	v6 =	vadd.f32 v25, v6;
	v29 =	vld [tilespmem:s23+$0xFFFFFF70];
	v8 =	vadd.f32 v22, v8;
	v22 =	vmul.f32 v26, v20  }
0x9a: {  	v7 =	vadd.f32 v30, v7;
	v9 =	vadd.f32 v28, v9;
	v25 =	vld [tilespmem:s23+$0xFFFFFFE0];
	v28 =	vmul.f32 v32, v20  }
0x9b: {  	v6 =	vadd.f32 v26, v6;
	v30 =	vld [tilespmem:s23+$0xFFFFFFF0];
	v8 =	vadd.f32 v22, v8;
	v22 =	vmul.f32 v24, v0  }
0x9c: {  	v7 =	vadd.f32 v32, v7;
	v9 =	vadd.f32 v28, v9;
	v26 =	vld [tilespmem:s23+$0x60];
	v28 =	vmul.f32 v27, v0  }
0x9d: {  	v6 =	vadd.f32 v24, v6;
	v31 =	vmul.f32 v23, v1;
	v32 =	vld [tilespmem:s23+$0x70];
	v8 =	vadd.f32 v22, v8  }
0x9e: {  	s25 =	sadd.s32 $0x4, s25;
	v7 =	vadd.f32 v27, v7;
	v1 =	vmul.f32 v29, v1;
	v9 =	vadd.f32 v28, v9;
	v27 =	vld [tilespmem:s23+$0xE0]  }
0x9f: {  	s28 =	sand.u32 $0x70, s25;
	p1 =	slt.u32 s25, $0x7C;
	v4 =	vadd.f32 v23, v4;
	v3 =	vadd.f32 v31, v3;
	v23 =	vmul.f32 v25, v21;
	v28 =	vld [tilespmem:s23+$0xF0]  }
0xa0: {  	v2 =	vadd.f32 v29, v2;
	v22 =	vld.idx.msk [tilespmem:v10+s28+$0x0 ss:$0x1], $0xffff;
	v1 =	vadd.f32 v1, v5;
	v5 =	vmul.f32 v30, v21  }
0xa1: {  	v4 =	vadd.f32 v25, v4;
	v3 =	vadd.f32 v23, v3;
	v21 =	vmul.f32 v26, v20  }
0xa2: {  	s23 =	sadd.s32 $0x200, s23;
	v2 =	vadd.f32 v30, v2;
	v1 =	vadd.f32 v5, v1;
	v5 =	vmul.f32 v32, v20  }
.Ltmp3:
0xa3: {  	v4 =	vadd.f32 v26, v4;
	v23 =	vld [tilespmem:s23+$0xFFFFFF00];
	v3 =	vadd.f32 v21, v3;
	v20 =	vmul.f32 v27, v0;
	(pc) =	sbr.rel @p1 .LBB2_5-.Ltmp3, $4  }
0xa4: {  	s28 =	sand.u32 $0xC, s25;
	v2 =	vadd.f32 v32, v2;
	v24 =	vld [tilespmem:s23+$0xFFFFFF10];
	v5 =	vadd.f32 v5, v1;
	v0 =	vmul.f32 v28, v0  }
0xa5: {  	v4 =	vadd.f32 v27, v4;
	v1 =	vmov s28;
	s28 =	sadd.s32 $0x5, s26;
	v25 =	vld [tilespmem:s23+$0xFFFFFF80];
	v3 =	vadd.f32 v20, v3  }
0xa6: {  	s26 =	sadd.s32 $0x6, s26;
	v2 =	vadd.f32 v28, v2;
	v1 =	vperm.xlane v22, v1;
	s28 =	sand.u32 $0xD, s28;
	v26 =	vld [tilespmem:s23+$0xFFFFFF90];
	v5 =	vadd.f32 v0, v5  }
0xa7: {  	s26 =	sand.u32 $0xE, s26;
	v20 =	vmov s28;
	v0 =	vperm.xlane v22, v19;
	v27 =	vld [tilespmem:s23+$0x0]  }
0xa8: {  	v10 =	vld [tilespmem:s23+$0x10]  }
0xa9: {  	v19 =	vld [tilespmem:s23+$0x80]  }
0xaa: {  	v21 =	vld [tilespmem:s23+$0x90]  }
0xab: {  	v28 =	vld [tilespmem:s23+$0xFFFFFF20]  }
0xac: {  	v29 =	vld [tilespmem:s23+$0xFFFFFF30]  }
0xad: {  	v30 =	vmul.f32 v23, v1;
	v20 =	vperm.xlane v22, v20;
	v31 =	vld [tilespmem:s23+$0xFFFFFFA0];
	v32 =	vmov s26  }
0xae: {  	v18 =	vadd.f32 v23, v18;
	v50 =	vld [tilespmem:s23+$0xFFFFFF40];
	v33 =	vmul.f32 v24, v1;
	v22 =	vperm.xlane v22, v32  }
0xaf: {  	v52 =	vld [tilespmem:s23+$0xFFFFFF50];
	v16 =	vadd.f32 v24, v16;
	v15 =	vadd.f32 v30, v15;
	v41 =	vmul.f32 v25, v20  }
0xb0: {  	v38 =	vld [tilespmem:s23+$0xFFFFFF60];
	v18 =	vadd.f32 v25, v18;
	v17 =	vadd.f32 v33, v17;
	v43 =	vmul.f32 v26, v20  }
0xb1: {  	v40 =	vld [tilespmem:s23+$0xFFFFFF70];
	v16 =	vadd.f32 v26, v16;
	v15 =	vadd.f32 v41, v15;
	v45 =	vmul.f32 v27, v22  }
0xb2: {  	v34 =	vld [tilespmem:s23+$0xFFFFFFB0];
	v18 =	vadd.f32 v27, v18;
	v17 =	vadd.f32 v43, v17;
	v47 =	vmul.f32 v10, v22  }
0xb3: {  	v42 =	vld [tilespmem:s23+$0x20];
	v49 =	vmul.f32 v19, v0;
	v51 =	vmul.f32 v21, v0;
	v10 =	vadd.f32 v10, v16  }
0xb4: {  	v44 =	vld [tilespmem:s23+$0x30];
	v53 =	vmul.f32 v28, v1;
	v13 =	vadd.f32 v28, v13;
	v11 =	vadd.f32 v29, v11  }
0xb5: {  	v46 =	vld [tilespmem:s23+$0xA0];
	v55 =	vmul.f32 v29, v1;
	v6 =	vadd.f32 v50, v6;
	v7 =	vadd.f32 v52, v7  }
0xb6: {  	v54 =	vld [tilespmem:s23+$0xFFFFFFC0];
	v57 =	vmul.f32 v31, v20;
	v4 =	vadd.f32 v38, v4;
	v2 =	vadd.f32 v40, v2  }
0xb7: {  	v56 =	vld [tilespmem:s23+$0xFFFFFFD0];
	v59 =	vmul.f32 v34, v20;
	v15 =	vadd.f32 v45, v15;
	v18 =	vadd.f32 v19, v18  }
0xb8: {  	v48 =	vld [tilespmem:s23+$0xB0];
	v41 =	vmul.f32 v50, v1;
	v17 =	vadd.f32 v47, v17;
	v10 =	vadd.f32 v21, v10  }
0xb9: {  	v58 =	vld [tilespmem:s23+$0x40];
	v43 =	vmul.f32 v52, v1;
	v14 =	vadd.f32 v53, v14;
	v12 =	vadd.f32 v55, v12  }
0xba: {  	v60 =	vld [tilespmem:s23+$0x50];
	v61 =	vmul.f32 v42, v22;
	v13 =	vadd.f32 v31, v13;
	v11 =	vadd.f32 v34, v11  }
0xbb: {  	v62 =	vld [tilespmem:s23+$0xC0];
	v63 =	vmul.f32 v44, v22;
	v8 =	vadd.f32 v41, v8;
	v9 =	vadd.f32 v43, v9  }
0xbc: {  	v36 =	vld [tilespmem:s23+$0xD0];
	v37 =	vmul.f32 v46, v0;
	v6 =	vadd.f32 v54, v6;
	v7 =	vadd.f32 v56, v7  }
0xbd: {  	v50 =	vld [tilespmem:s23+$0xE0];
	v45 =	vmul.f32 v54, v20;
	v15 =	vadd.f32 v49, v15;
	v17 =	vadd.f32 v51, v17  }
0xbe: {  	v52 =	vld [tilespmem:s23+$0xF0];
	v47 =	vmul.f32 v56, v20;
	v14 =	vadd.f32 v57, v14;
	v12 =	vadd.f32 v59, v12  }
0xbf: {  	v39 =	vmul.f32 v48, v0;
	v13 =	vadd.f32 v42, v13;
	v11 =	vadd.f32 v44, v11;
	v42 =	vld [tilespmem:s23+$0xFFFFFFE0]  }
0xc0: {  	v55 =	vmul.f32 v38, v1;
	v44 =	vld [tilespmem:s23+$0xFFFFFFF0];
	v8 =	vadd.f32 v45, v8;
	v9 =	vadd.f32 v47, v9  }
0xc1: {  	v56 =	vmul.f32 v40, v1;
	v6 =	vadd.f32 v58, v6;
	v13 =	vadd.f32 v46, v13;
	v46 =	vld [tilespmem:s23+$0x60]  }
0xc2: {  	v49 =	vmul.f32 v58, v22;
	v7 =	vadd.f32 v60, v7;
	v11 =	vadd.f32 v48, v11;
	v48 =	vld [tilespmem:s23+$0x70];
	[tilespmem:s24+$0x9000] =	vst v15  }
0xc3: {  	v51 =	vmul.f32 v60, v22;
	v3 =	vadd.f32 v55, v3;
	v1 =	vadd.f32 v56, v5;
	[tilespmem:s24+$0xA000] =	vst v18  }
0xc4: {  	v14 =	vadd.f32 v61, v14;
	v12 =	vadd.f32 v63, v12;
	[tilespmem:s24+$0x9010] =	vst v17  }
0xc5: {  	v8 =	vadd.f32 v49, v8;
	v9 =	vadd.f32 v51, v9;
	[tilespmem:s24+$0xA010] =	vst v10  }
0xc6: {  	v53 =	vmul.f32 v62, v0;
	v6 =	vadd.f32 v62, v6;
	v7 =	vadd.f32 v36, v7;
	[tilespmem:s24+$0xA020] =	vst v13  }
0xc7: {  	v54 =	vmul.f32 v36, v0;
	v14 =	vadd.f32 v37, v14;
	v12 =	vadd.f32 v39, v12;
	[tilespmem:s24+$0xA030] =	vst v11  }
0xc8: {  	v8 =	vadd.f32 v53, v8;
	[tilespmem:s24+$0xA040] =	vst v6;
	v57 =	vmul.f32 v42, v20;
	v4 =	vadd.f32 v42, v4  }
0xc9: {  	v9 =	vadd.f32 v54, v9;
	[tilespmem:s24+$0xA050] =	vst v7;
	v58 =	vmul.f32 v44, v20;
	v2 =	vadd.f32 v44, v2  }
0xca: {  	[tilespmem:s24+$0x9020] =	vst v14;
	v3 =	vadd.f32 v57, v3;
	v59 =	vmul.f32 v46, v22;
	v4 =	vadd.f32 v46, v4  }
0xcb: {  	[tilespmem:s24+$0x9030] =	vst v12;
	v1 =	vadd.f32 v58, v1;
	v60 =	vmul.f32 v48, v22;
	v2 =	vadd.f32 v48, v2  }
0xcc: {  	v61 =	vmul.f32 v50, v0;
	[tilespmem:s24+$0x9040] =	vst v8;
	v3 =	vadd.f32 v59, v3;
	v4 =	vadd.f32 v50, v4  }
.Ltmp4:
0xcd: {  	v62 =	vmul.f32 v52, v0;
	[tilespmem:s24+$0x9050] =	vst v9;
	v1 =	vadd.f32 v60, v1;
	v63 =	vadd.f32 v52, v2;
	(pc) =	sbr.rel @p0 .LBB2_8-.Ltmp4, $4  }
0xce: {  	v3 =	vadd.f32 v61, v3;
	[tilespmem:s24+$0xA060] =	vst v4  }
0xcf: {  	v0 =	vadd.f32 v62, v1;
	[tilespmem:s24+$0xA070] =	vst v63  }
0xd0: {  	[tilespmem:s24+$0x9060] =	vst v3  }
0xd1: {  	[tilespmem:s24+$0x9070] =	vst v0  }
0xd2: {  	s22 =	sadd.s32 s3, s22  }
0xd3: {  	s22 =	sshll.u32 s22, $0x4  }
.Ltmp5:
0xd4: {  	s22 =	sadd.s32 $0x30, s22;
	(pc) =	sbr.rel .LBB2_2-.Ltmp5, $4  }
0xd5: {  	s23 =	sand.u32 $0xFFFFF80, s22  }
0xd6: {  	s22 =	sand.u32 $0x70, s22;
	s23 =	sadd.s32 s23, s4  }
0xd7: {  	s21 =	sadd.s32 $0x1, s21;
	s22 =	sadd.s32 s22, s23  }
0xd8: {  	[tilespmem:s13], [sflag:$0x2] =	stream.strided.gather [hbm4b:s22+s11], $0x4000, s12, s11, $0x38;
	[tilespmem:$0xB000] =	vst v63  }
.LBB2_9:
0xd9: {  	_ =	sfence.sel $0x180000  }
0xda: {  	[bflag:$0x0] =	sbarrier.arrive $0xFFFF  }
0xdb: {  	p0 =	sne.s32 s0, $0x0;
	_ =	strace $0x90000047  }
0xdc: {  	s0 =	sadd.s32 @!p0 $0x100000, s1;
	[bflag:$0x2] =	sbarrier.arrive $0xFFFF  }
0xdd: {  	[sflag:s0] =	ssyncadd.tile.s32 @!p0 $0x1;
	_ =	shalt  }
.Lfunc_end2:
_tile_overlayer_lowered:
.L_overlay_start_2:
0xde: {  	(tag) =	ssettag $0x2  }
0xdf: {  	s0 =	rddreg [dreg:$0x0];
	s2 =	stileid.u32  }
0xe0: {  	s1 =	rddreg [dreg:$0x1];
	p0 =	sne.s32 s2, $0x0  }
0xe1: {  	s3 =	rddreg [dreg:$0x2];
	[bflag:$0x3] =	sbarrier.arrive $0xFFFF;
	s2 =	simm.s32 @!p0 $0x1C03  }
0xe2: {  	[timem:s3], [sflag:s2] =	dma.local @!p0 [hbm:s0], s1  }
0xe3: {  	s0 =	simm.s32 @!p0 $0x3  }
0xe4: {  	_ =	swait.ge @!p0 [sflag:s0], s1  }
0xe5: {  	s1 =	ssub.s32 @!p0 $0x0, s1;
	[sflag:s0] =	ssyncset.done @!p0 $0x0  }
0xe6: {  	[sflag:s0] =	ssyncadd.s32 @!p0 s1  }
0xe7: {  	[bflag:$0x3] =	sbarrier.arrive $0xFFFF  }
0xe8: {  	_ =	shalt  }

</sc_bundles>
